<compile_context>
chip_gen: v7x
topology: tpu7x:2x2x1
jax: 0.10.2.dev20260603
libtpu: 0.0.44.dev20260713+nightly
codegen_flags: <defaults>
</compile_context>

<pallas_src>
import functools

import jax
import jax.numpy as jnp
from jax import lax
from jax.experimental import pallas as pl
from jax.experimental.pallas import tpu as pltpu
from jax.experimental.pallas import tpu_sc as plsc

N = 10000
E = 320000
D = 128
B = 125
NTILE = 16
NW = 32
NBLK = E // B
BPT = NBLK // NW
HALF = BPT // 2
NPAD = 10240
RPT = NPAD // NTILE

_MESH = plsc.VectorSubcoreMesh(core_axis_name="c", subcore_axis_name="s")
_f32 = jnp.float32



@functools.partial(
    pl.kernel,
    mesh=_MESH,
    out_type=jax.ShapeDtypeStruct((2, NPAD), _f32),
    scratch_types=[
        pltpu.VMEM((BPT, B), jnp.int32),
        pltpu.VMEM((B,), _f32),
        pltpu.VMEM_SHARED((NPAD,), _f32),
    ],
)
def _sc_degree(dst2_hbm, zeros1_hbm, ones_hbm, out_hbm, dsts_v, ones_v, acc_sh):
    c = lax.axis_index("c")
    s = lax.axis_index("s")
    w = c * NTILE + s
    pltpu.sync_copy(zeros1_hbm, acc_sh.at[pl.ds(s * RPT, RPT)])
    pltpu.sync_copy(ones_hbm, ones_v)
    pltpu.sync_copy(dst2_hbm.at[pl.ds(w * BPT, BPT), :], dsts_v)
    plsc.subcore_barrier()

    @pl.loop(0, BPT)
    def _(j):
        pltpu.sync_copy(ones_v, acc_sh.at[dsts_v.at[j]], add=True)

    plsc.subcore_barrier()
    pltpu.sync_copy(
        acc_sh.at[pl.ds(s * RPT, RPT)],
        out_hbm.at[c, pl.ds(s * RPT, RPT)],
    )


@functools.partial(
    pl.kernel,
    mesh=_MESH,
    out_type=[
        jax.ShapeDtypeStruct((NPAD, D), _f32),
        jax.ShapeDtypeStruct((NPAD, D), _f32),
    ],
    scratch_types=[
        pltpu.VMEM((HALF, B), jnp.int32),
        pltpu.VMEM((HALF, B), jnp.int32),
        pltpu.VMEM((B, D), _f32),
        pltpu.VMEM((B, D), _f32),
        pltpu.VMEM_SHARED((NPAD, D), _f32),
        pltpu.SemaphoreType.DMA,
        pltpu.SemaphoreType.DMA,
    ],
)
def _sc_prop(t_hbm, src2_hbm, dst2_hbm, zeros2_hbm, o0_hbm, o1_hbm,
             srcs_v, dsts_v, rows0, rows1, acc_sh, sem0, sem1):
    c = lax.axis_index("c")
    s = lax.axis_index("s")
    w = c * NTILE + s
    pltpu.sync_copy(zeros2_hbm, acc_sh.at[pl.ds(s * RPT, RPT), :])
    plsc.subcore_barrier()

    for half in range(2):
        base = w * BPT + half * HALF
        pltpu.sync_copy(src2_hbm.at[pl.ds(base, HALF), :], srcs_v)
        pltpu.sync_copy(dst2_hbm.at[pl.ds(base, HALF), :], dsts_v)
        pltpu.async_copy(t_hbm.at[srcs_v.at[0]], rows0, sem0)

        @pl.loop(0, HALF // 2)
        def _(k):
            j = 2 * k
            pltpu.async_copy(t_hbm.at[srcs_v.at[j + 1]], rows1, sem1)
            pltpu.make_async_copy(t_hbm.at[srcs_v.at[j]], rows0, sem0).wait()
            pltpu.sync_copy(rows0, acc_sh.at[dsts_v.at[j]], add=True)

            @pl.when(j + 2 < HALF)
            def _():
                pltpu.async_copy(t_hbm.at[srcs_v.at[j + 2]], rows0, sem0)

            pltpu.make_async_copy(t_hbm.at[srcs_v.at[j + 1]], rows1, sem1).wait()
            pltpu.sync_copy(rows1, acc_sh.at[dsts_v.at[j + 1]], add=True)

    plsc.subcore_barrier()
    tile_rows = pl.ds(s * RPT, RPT)

    @pl.when(c == 0)
    def _():
        pltpu.sync_copy(acc_sh.at[tile_rows, :], o0_hbm.at[tile_rows, :])

    @pl.when(c == 1)
    def _():
        pltpu.sync_copy(acc_sh.at[tile_rows, :], o1_hbm.at[tile_rows, :])



def _stage_matmul(feat_ref, w_ref, y0_ref):
    y0_ref[...] = jnp.dot(
        feat_ref[...], w_ref[...], preferred_element_type=jnp.float32)


def _stage_scale0(dp0_ref, dp1_ref, y0_ref, t0_ref, dinv_ref, dinv2_ref):
    deg = dp0_ref[...] + dp1_ref[...] + 1.0
    di = lax.rsqrt(deg)
    dinv_ref[...] = di
    dinv2_ref[...] = 1.0 / deg
    t0_ref[...] = y0_ref[...] * di


def _stage_mid(u0_ref, u1_ref, t0_ref, dinv2_ref, t1_ref):
    u = u0_ref[:N, :] + u1_ref[:N, :]
    t1_ref[...] = (u + t0_ref[...]) * dinv2_ref[...]


def _stage_final(u0_ref, u1_ref, t1_ref, dinv_ref, b_ref, out_ref):
    u = u0_ref[:N, :] + u1_ref[:N, :]
    out_ref[...] = (u + t1_ref[...]) * dinv_ref[...] + b_ref[...]



@jax.jit
def kernel(feat, edge_index, W, b):
    src = edge_index[0].astype(jnp.int32).reshape(NBLK, B)
    dst = edge_index[1].astype(jnp.int32).reshape(NBLK, B)
    zeros1 = jnp.zeros((RPT,), _f32)
    zeros2 = jnp.zeros((RPT, D), _f32)
    ones = jnp.ones((B,), _f32)

    y0 = pl.pallas_call(
        _stage_matmul,
        out_shape=jax.ShapeDtypeStruct((N, D), _f32),
    )(feat, W)
    deg_p = _sc_degree(dst, zeros1, ones)
    dp0 = deg_p[0, :N].reshape(N, 1)
    dp1 = deg_p[1, :N].reshape(N, 1)

    t0, dinv, dinv2 = pl.pallas_call(
        _stage_scale0,
        out_shape=[
            jax.ShapeDtypeStruct((N, D), _f32),
            jax.ShapeDtypeStruct((N, 1), _f32),
            jax.ShapeDtypeStruct((N, 1), _f32),
        ],
    )(dp0, dp1, y0)

    u10, u11 = _sc_prop(t0, src, dst, zeros2)
    t1 = pl.pallas_call(
        _stage_mid,
        out_shape=jax.ShapeDtypeStruct((N, D), _f32),
    )(u10, u11, t0, dinv2)

    u20, u21 = _sc_prop(t1, src, dst, zeros2)
    out = pl.pallas_call(
        _stage_final,
        out_shape=jax.ShapeDtypeStruct((N, D), _f32),
    )(u20, u21, t1, dinv, b)
    return out

# --- scband reference (transcript-rebuilt; emitter-appended) ---
"""Pipeline reference for scband-sgconv-23785528886112 (READ-ONLY COPY).

The authoritative reference and input builder live on the scoring server;
editing this copy changes nothing except your own understanding.
"""

import jax, jax.numpy as jnp
import numpy as np

N = 10000
E = 320000
DIN = 128
DOUT = 128
K = 2


def setup_inputs(seed: int = 0) -> dict:
    key = jax.random.key(seed)
    k1, k2, k3, k4 = jax.random.split(key, 4)
    feat = jax.random.normal(k1, (N, DIN), dtype=jnp.float32)
    edge_index = jax.random.randint(k2, (2, E), 0, N)
    # Learned params for the Linear layer (in_feats=128 -> out_feats=128)
    W = jax.random.normal(k3, (DIN, DOUT), dtype=jnp.float32) / np.sqrt(DIN)
    b = jax.random.normal(k4, (DOUT,), dtype=jnp.float32) * 0.01
    return {"feat": feat, "edge_index": edge_index, "W": W, "b": b}


def reference(feat, edge_index, W, b):
    # SGConv: H^K = (D^-1/2 (A+I) D^-1/2)^K X Theta, norm='both', add_self_loop=True
    src = edge_index[0]
    dst = edge_index[1]
    loops = jnp.arange(N, dtype=src.dtype)
    src = jnp.concatenate([src, loops])
    dst = jnp.concatenate([dst, loops])
    # degrees after adding self-loops (in-degree, symmetric norm)
    ones = jnp.ones_like(dst, dtype=feat.dtype)
    deg = jax.ops.segment_sum(ones, dst, num_segments=N)
    dinv = jnp.where(deg > 0, deg ** -0.5, 0.0)
    edge_weight = dinv[src] * dinv[dst]
    h = feat
    for _ in range(K):
        msg = h[src] * edge_weight[:, None]
        h = jax.ops.segment_sum(msg, dst, num_segments=N)
    return h @ W + b

if __name__ == "__main__":
    import jax
    _d = setup_inputs()
    print(jax.jit(kernel)(*tuple(_d.values())))

</pallas_src>

<mosaic_0001>
#map = affine_map<(d0, d1) -> (0, 0)>
module attributes {stable_mosaic.version = 14 : i64} {
  func.func @_sc_prop(%arg0: i32, %arg1: i32, %arg2: memref<10000x128xf32, #tpu.memory_space<hbm>>, %arg3: memref<2560x125xi32, #tpu.memory_space<hbm>>, %arg4: memref<2560x125xi32, #tpu.memory_space<hbm>>, %arg5: memref<640x128xf32, #tpu.memory_space<hbm>>, %arg6: memref<10240x128xf32, #tpu.memory_space<hbm>>, %arg7: memref<10240x128xf32, #tpu.memory_space<hbm>>, %arg8: memref<40x125xi32, #tpu.memory_space<vmem>>, %arg9: memref<40x125xi32, #tpu.memory_space<vmem>>, %arg10: memref<125x128xf32, #tpu.memory_space<vmem>>, %arg11: memref<125x128xf32, #tpu.memory_space<vmem>>, %arg12: memref<10240x128xf32, #tpu.memory_space<vmem_shared>>, %arg13: memref<!tpu.dma_semaphore, #tpu.memory_space<semaphore_mem>>, %arg14: memref<!tpu.dma_semaphore, #tpu.memory_space<semaphore_mem>>) attributes {dimension_semantics = [#tpu.dimension_semantics<core_parallel>, #tpu.dimension_semantics<subcore_parallel>], iteration_bounds = array<i64: 2, 16>, scalar_prefetch = 0 : i64, scratch_operands = 7 : i64, tpu.core_type = #tpu.core_type<sc_vector_subcore>, window_params = [{transform_indices = #map}, {transform_indices = #map}, {transform_indices = #map}, {transform_indices = #map}, {transform_indices = #map}, {transform_indices = #map}]} {
    %mul3A = arith.constant 16 : i32
    %mul3A_0 = arith.muli %arg0, %mul3A : i32
    %add3A = arith.addi %mul3A_0, %arg1 : i32
    %mul3A_1 = arith.constant 640 : i32
    %mul3A_2 = arith.muli %arg1, %mul3A_1 : i32
    "tpu.region"() ({
      %run_scoped3A = tpu.sem_alloc : memref<!tpu.dma_semaphore, #tpu.memory_space<semaphore_mem>>
      %dma_start3A_43 = arith.constant 0 : i32
      %dma_start3A_44 = tpu.memref_slice %arg12[%mul3A_2, %dma_start3A_43] : memref<10240x128xf32, #tpu.memory_space<vmem_shared>> -> memref<640x128xf32, #tpu.memory_space<vmem_shared>>
      tpu.enqueue_dma source(%arg5 : memref<640x128xf32, #tpu.memory_space<hbm>>) target(%dma_start3A_44 : memref<640x128xf32, #tpu.memory_space<vmem_shared>>) target_semaphore(%run_scoped3A : memref<!tpu.dma_semaphore, #tpu.memory_space<semaphore_mem>>)
      %dma_wait3A = arith.constant 0 : i32
      %dma_wait3A_45 = tpu.memref_slice %arg12[%mul3A_2, %dma_wait3A] : memref<10240x128xf32, #tpu.memory_space<vmem_shared>> -> memref<640x128xf32, #tpu.memory_space<vmem_shared>>
      tpu.wait_dma2 semaphore(%run_scoped3A : memref<!tpu.dma_semaphore, #tpu.memory_space<semaphore_mem>>) src(%arg5 : memref<640x128xf32, #tpu.memory_space<hbm>>) dst(%dma_wait3A_45 : memref<640x128xf32, #tpu.memory_space<vmem_shared>>)
      tpu.yield
    }) : () -> ()
    %barrier3A = arith.constant 0 : index
    tpu.barrier barrier_id(%barrier3A)
    %mul3A_3 = arith.constant 80 : i32
    %mul3A_4 = arith.muli %add3A, %mul3A_3 : i32
    %add3A_5 = arith.constant 0 : i32
    %add3A_6 = arith.addi %mul3A_4, %add3A_5 : i32
    "tpu.region"() ({
      %run_scoped3A = tpu.sem_alloc : memref<!tpu.dma_semaphore, #tpu.memory_space<semaphore_mem>>
      %dma_start3A_43 = arith.constant 0 : i32
      %dma_start3A_44 = tpu.memref_slice %arg3[%add3A_6, %dma_start3A_43] : memref<2560x125xi32, #tpu.memory_space<hbm>> -> memref<40x125xi32, #tpu.memory_space<hbm>>
      %dma_start3A_45 = arith.constant 0 : i32
      %dma_start3A_46 = tpu.memref_slice %arg3[%add3A_6, %dma_start3A_45] : memref<2560x125xi32, #tpu.memory_space<hbm>> -> memref<40x125xi32, #tpu.memory_space<hbm>>
      tpu.enqueue_dma source(%dma_start3A_46 : memref<40x125xi32, #tpu.memory_space<hbm>>) target(%arg8 : memref<40x125xi32, #tpu.memory_space<vmem>>) target_semaphore(%run_scoped3A : memref<!tpu.dma_semaphore, #tpu.memory_space<semaphore_mem>>)
      %dma_wait3A = arith.constant 0 : i32
      %dma_wait3A_47 = tpu.memref_slice %arg3[%add3A_6, %dma_wait3A] : memref<2560x125xi32, #tpu.memory_space<hbm>> -> memref<40x125xi32, #tpu.memory_space<hbm>>
      %dma_wait3A_48 = arith.constant 0 : i32
      %dma_wait3A_49 = tpu.memref_slice %arg3[%add3A_6, %dma_wait3A_48] : memref<2560x125xi32, #tpu.memory_space<hbm>> -> memref<40x125xi32, #tpu.memory_space<hbm>>
      tpu.wait_dma2 semaphore(%run_scoped3A : memref<!tpu.dma_semaphore, #tpu.memory_space<semaphore_mem>>) src(%dma_wait3A_49 : memref<40x125xi32, #tpu.memory_space<hbm>>) dst(%arg8 : memref<40x125xi32, #tpu.memory_space<vmem>>)
      tpu.yield
    }) : () -> ()
    "tpu.region"() ({
      %run_scoped3A = tpu.sem_alloc : memref<!tpu.dma_semaphore, #tpu.memory_space<semaphore_mem>>
      %dma_start3A_43 = arith.constant 0 : i32
      %dma_start3A_44 = tpu.memref_slice %arg4[%add3A_6, %dma_start3A_43] : memref<2560x125xi32, #tpu.memory_space<hbm>> -> memref<40x125xi32, #tpu.memory_space<hbm>>
      %dma_start3A_45 = arith.constant 0 : i32
      %dma_start3A_46 = tpu.memref_slice %arg4[%add3A_6, %dma_start3A_45] : memref<2560x125xi32, #tpu.memory_space<hbm>> -> memref<40x125xi32, #tpu.memory_space<hbm>>
      tpu.enqueue_dma source(%dma_start3A_46 : memref<40x125xi32, #tpu.memory_space<hbm>>) target(%arg9 : memref<40x125xi32, #tpu.memory_space<vmem>>) target_semaphore(%run_scoped3A : memref<!tpu.dma_semaphore, #tpu.memory_space<semaphore_mem>>)
      %dma_wait3A = arith.constant 0 : i32
      %dma_wait3A_47 = tpu.memref_slice %arg4[%add3A_6, %dma_wait3A] : memref<2560x125xi32, #tpu.memory_space<hbm>> -> memref<40x125xi32, #tpu.memory_space<hbm>>
      %dma_wait3A_48 = arith.constant 0 : i32
      %dma_wait3A_49 = tpu.memref_slice %arg4[%add3A_6, %dma_wait3A_48] : memref<2560x125xi32, #tpu.memory_space<hbm>> -> memref<40x125xi32, #tpu.memory_space<hbm>>
      tpu.wait_dma2 semaphore(%run_scoped3A : memref<!tpu.dma_semaphore, #tpu.memory_space<semaphore_mem>>) src(%dma_wait3A_49 : memref<40x125xi32, #tpu.memory_space<hbm>>) dst(%arg9 : memref<40x125xi32, #tpu.memory_space<vmem>>)
      tpu.yield
    }) : () -> ()
    %dma_start3A = arith.constant 0 : i32
    %dma_start3A_7 = arith.constant 0 : i32
    %dma_start3A_8 = tpu.memref_slice %arg8[%dma_start3A, %dma_start3A_7] : memref<40x125xi32, #tpu.memory_space<vmem>> -> memref<1x125xi32, #tpu.memory_space<vmem>>
    %dma_start3A_9 = tpu.memref_squeeze %dma_start3A_8 : memref<1x125xi32, #tpu.memory_space<vmem>> -> memref<125xi32, #tpu.memory_space<vmem>>
    %dma_start3A_10 = arith.constant 0 : i32
    %dma_start3A_11 = arith.constant 0 : i32
    %dma_start3A_12 = tpu.memref_slice %arg2[%dma_start3A_10, %dma_start3A_11] : memref<10000x128xf32, #tpu.memory_space<hbm>> -> memref<10000x128xf32, #tpu.memory_space<hbm>>
    tpu.enqueue_indirect_dma source(%dma_start3A_12 : memref<10000x128xf32, #tpu.memory_space<hbm>>) target(%arg10 : memref<125x128xf32, #tpu.memory_space<vmem>>) offsets(%dma_start3A_9 : memref<125xi32, #tpu.memory_space<vmem>>) semaphore(%arg13 : memref<!tpu.dma_semaphore, #tpu.memory_space<semaphore_mem>>)
    %scan3A = arith.constant 0 : i32
    %scan3A_13 = arith.constant 20 : i32
    %scan3A_14 = arith.addi %scan3A, %scan3A_13 : i32
    %scan3A_15 = arith.constant 1 : i32
    scf.for %scan3A_43 = %scan3A to %scan3A_14 step %scan3A_15  : i32 {
      %mul3A_44 = arith.constant 1 : i32
      %mul3A_45 = arith.muli %scan3A_43, %mul3A_44 : i32
      %add3A_46 = arith.constant 0 : i32
      %add3A_47 = arith.addi %add3A_46, %mul3A_45 : i32
      %mul3A_48 = arith.constant 2 : i32
      %mul3A_49 = arith.muli %mul3A_48, %add3A_47 : i32
      %add3A_50 = arith.constant 1 : i32
      %add3A_51 = arith.addi %mul3A_49, %add3A_50 : i32
      %dma_start3A_52 = arith.constant 0 : i32
      %dma_start3A_53 = tpu.memref_slice %arg8[%add3A_51, %dma_start3A_52] : memref<40x125xi32, #tpu.memory_space<vmem>> -> memref<1x125xi32, #tpu.memory_space<vmem>>
      %dma_start3A_54 = tpu.memref_squeeze %dma_start3A_53 : memref<1x125xi32, #tpu.memory_space<vmem>> -> memref<125xi32, #tpu.memory_space<vmem>>
      %dma_start3A_55 = arith.constant 0 : i32
      %dma_start3A_56 = arith.constant 0 : i32
      %dma_start3A_57 = tpu.memref_slice %arg2[%dma_start3A_55, %dma_start3A_56] : memref<10000x128xf32, #tpu.memory_space<hbm>> -> memref<10000x128xf32, #tpu.memory_space<hbm>>
      tpu.enqueue_indirect_dma source(%dma_start3A_57 : memref<10000x128xf32, #tpu.memory_space<hbm>>) target(%arg11 : memref<125x128xf32, #tpu.memory_space<vmem>>) offsets(%dma_start3A_54 : memref<125xi32, #tpu.memory_space<vmem>>) semaphore(%arg14 : memref<!tpu.dma_semaphore, #tpu.memory_space<semaphore_mem>>)
      %dma_wait3A = arith.constant 0 : i32
      %dma_wait3A_58 = tpu.memref_slice %arg8[%mul3A_49, %dma_wait3A] : memref<40x125xi32, #tpu.memory_space<vmem>> -> memref<1x125xi32, #tpu.memory_space<vmem>>
      %dma_wait3A_59 = tpu.memref_squeeze %dma_wait3A_58 : memref<1x125xi32, #tpu.memory_space<vmem>> -> memref<125xi32, #tpu.memory_space<vmem>>
      %dma_wait3A_60 = arith.constant 0 : i32
      %dma_wait3A_61 = arith.constant 0 : i32
      %dma_wait3A_62 = tpu.memref_slice %arg2[%dma_wait3A_60, %dma_wait3A_61] : memref<10000x128xf32, #tpu.memory_space<hbm>> -> memref<10000x128xf32, #tpu.memory_space<hbm>>
      tpu.wait_indirect_dma semaphore(%arg13 : memref<!tpu.dma_semaphore, #tpu.memory_space<semaphore_mem>>) src(%dma_wait3A_62 : memref<10000x128xf32, #tpu.memory_space<hbm>>) dst(%arg10 : memref<125x128xf32, #tpu.memory_space<vmem>>)
      "tpu.region"() ({
        %run_scoped3A = tpu.sem_alloc : memref<!tpu.dma_semaphore, #tpu.memory_space<semaphore_mem>>
        %dma_start3A_79 = arith.constant 0 : i32
        %dma_start3A_80 = tpu.memref_slice %arg9[%mul3A_49, %dma_start3A_79] : memref<40x125xi32, #tpu.memory_space<vmem>> -> memref<1x125xi32, #tpu.memory_space<vmem>>
        %dma_start3A_81 = tpu.memref_squeeze %dma_start3A_80 : memref<1x125xi32, #tpu.memory_space<vmem>> -> memref<125xi32, #tpu.memory_space<vmem>>
        %dma_start3A_82 = arith.constant 0 : i32
        %dma_start3A_83 = arith.constant 0 : i32
        %dma_start3A_84 = tpu.memref_slice %arg12[%dma_start3A_82, %dma_start3A_83] : memref<10240x128xf32, #tpu.memory_space<vmem_shared>> -> memref<10240x128xf32, #tpu.memory_space<vmem_shared>>
        tpu.enqueue_indirect_dma source(%arg10 : memref<125x128xf32, #tpu.memory_space<vmem>>) target(%dma_start3A_84 : memref<10240x128xf32, #tpu.memory_space<vmem_shared>>) offsets(%dma_start3A_81 : memref<125xi32, #tpu.memory_space<vmem>>) semaphore(%run_scoped3A : memref<!tpu.dma_semaphore, #tpu.memory_space<semaphore_mem>>) {add = true}
        %dma_wait3A_85 = arith.constant 0 : i32
        %dma_wait3A_86 = tpu.memref_slice %arg9[%mul3A_49, %dma_wait3A_85] : memref<40x125xi32, #tpu.memory_space<vmem>> -> memref<1x125xi32, #tpu.memory_space<vmem>>
        %dma_wait3A_87 = tpu.memref_squeeze %dma_wait3A_86 : memref<1x125xi32, #tpu.memory_space<vmem>> -> memref<125xi32, #tpu.memory_space<vmem>>
        %dma_wait3A_88 = arith.constant 0 : i32
        %dma_wait3A_89 = arith.constant 0 : i32
        %dma_wait3A_90 = tpu.memref_slice %arg12[%dma_wait3A_88, %dma_wait3A_89] : memref<10240x128xf32, #tpu.memory_space<vmem_shared>> -> memref<10240x128xf32, #tpu.memory_space<vmem_shared>>
        tpu.wait_indirect_dma semaphore(%run_scoped3A : memref<!tpu.dma_semaphore, #tpu.memory_space<semaphore_mem>>) src(%arg10 : memref<125x128xf32, #tpu.memory_space<vmem>>) dst(%dma_wait3A_90 : memref<10240x128xf32, #tpu.memory_space<vmem_shared>>)
        tpu.yield
      }) : () -> ()
      %add3A_63 = arith.constant 2 : i32
      %add3A_64 = arith.addi %mul3A_49, %add3A_63 : i32
      %lt3A = arith.constant 40 : i32
      %lt3A_65 = arith.cmpi slt, %add3A_64, %lt3A : i32
      %convert_element_type3A_66 = arith.extui %lt3A_65 : i1 to i32
      %cond3A_67 = arith.constant 0 : i32
      %cond3A_68 = arith.cmpi ne, %convert_element_type3A_66, %cond3A_67 : i32
      scf.if %cond3A_68 {
        %add3A_79 = arith.constant 2 : i32
        %add3A_80 = arith.addi %mul3A_49, %add3A_79 : i32
        %dma_start3A_81 = arith.constant 0 : i32
        %dma_start3A_82 = tpu.memref_slice %arg8[%add3A_80, %dma_start3A_81] : memref<40x125xi32, #tpu.memory_space<vmem>> -> memref<1x125xi32, #tpu.memory_space<vmem>>
        %dma_start3A_83 = tpu.memref_squeeze %dma_start3A_82 : memref<1x125xi32, #tpu.memory_space<vmem>> -> memref<125xi32, #tpu.memory_space<vmem>>
        %dma_start3A_84 = arith.constant 0 : i32
        %dma_start3A_85 = arith.constant 0 : i32
        %dma_start3A_86 = tpu.memref_slice %arg2[%dma_start3A_84, %dma_start3A_85] : memref<10000x128xf32, #tpu.memory_space<hbm>> -> memref<10000x128xf32, #tpu.memory_space<hbm>>
        tpu.enqueue_indirect_dma source(%dma_start3A_86 : memref<10000x128xf32, #tpu.memory_space<hbm>>) target(%arg10 : memref<125x128xf32, #tpu.memory_space<vmem>>) offsets(%dma_start3A_83 : memref<125xi32, #tpu.memory_space<vmem>>) semaphore(%arg13 : memref<!tpu.dma_semaphore, #tpu.memory_space<semaphore_mem>>)
      } else {
      }
      %add3A_69 = arith.constant 1 : i32
      %add3A_70 = arith.addi %mul3A_49, %add3A_69 : i32
      %dma_wait3A_71 = arith.constant 0 : i32
      %dma_wait3A_72 = tpu.memref_slice %arg8[%add3A_70, %dma_wait3A_71] : memref<40x125xi32, #tpu.memory_space<vmem>> -> memref<1x125xi32, #tpu.memory_space<vmem>>
      %dma_wait3A_73 = tpu.memref_squeeze %dma_wait3A_72 : memref<1x125xi32, #tpu.memory_space<vmem>> -> memref<125xi32, #tpu.memory_space<vmem>>
      %dma_wait3A_74 = arith.constant 0 : i32
      %dma_wait3A_75 = arith.constant 0 : i32
      %dma_wait3A_76 = tpu.memref_slice %arg2[%dma_wait3A_74, %dma_wait3A_75] : memref<10000x128xf32, #tpu.memory_space<hbm>> -> memref<10000x128xf32, #tpu.memory_space<hbm>>
      tpu.wait_indirect_dma semaphore(%arg14 : memref<!tpu.dma_semaphore, #tpu.memory_space<semaphore_mem>>) src(%dma_wait3A_76 : memref<10000x128xf32, #tpu.memory_space<hbm>>) dst(%arg11 : memref<125x128xf32, #tpu.memory_space<vmem>>)
      %add3A_77 = arith.constant 1 : i32
      %add3A_78 = arith.addi %mul3A_49, %add3A_77 : i32
      "tpu.region"() ({
        %run_scoped3A = tpu.sem_alloc : memref<!tpu.dma_semaphore, #tpu.memory_space<semaphore_mem>>
        %dma_start3A_79 = arith.constant 0 : i32
        %dma_start3A_80 = tpu.memref_slice %arg9[%add3A_78, %dma_start3A_79] : memref<40x125xi32, #tpu.memory_space<vmem>> -> memref<1x125xi32, #tpu.memory_space<vmem>>
        %dma_start3A_81 = tpu.memref_squeeze %dma_start3A_80 : memref<1x125xi32, #tpu.memory_space<vmem>> -> memref<125xi32, #tpu.memory_space<vmem>>
        %dma_start3A_82 = arith.constant 0 : i32
        %dma_start3A_83 = arith.constant 0 : i32
        %dma_start3A_84 = tpu.memref_slice %arg12[%dma_start3A_82, %dma_start3A_83] : memref<10240x128xf32, #tpu.memory_space<vmem_shared>> -> memref<10240x128xf32, #tpu.memory_space<vmem_shared>>
        tpu.enqueue_indirect_dma source(%arg11 : memref<125x128xf32, #tpu.memory_space<vmem>>) target(%dma_start3A_84 : memref<10240x128xf32, #tpu.memory_space<vmem_shared>>) offsets(%dma_start3A_81 : memref<125xi32, #tpu.memory_space<vmem>>) semaphore(%run_scoped3A : memref<!tpu.dma_semaphore, #tpu.memory_space<semaphore_mem>>) {add = true}
        %dma_wait3A_85 = arith.constant 0 : i32
        %dma_wait3A_86 = tpu.memref_slice %arg9[%add3A_78, %dma_wait3A_85] : memref<40x125xi32, #tpu.memory_space<vmem>> -> memref<1x125xi32, #tpu.memory_space<vmem>>
        %dma_wait3A_87 = tpu.memref_squeeze %dma_wait3A_86 : memref<1x125xi32, #tpu.memory_space<vmem>> -> memref<125xi32, #tpu.memory_space<vmem>>
        %dma_wait3A_88 = arith.constant 0 : i32
        %dma_wait3A_89 = arith.constant 0 : i32
        %dma_wait3A_90 = tpu.memref_slice %arg12[%dma_wait3A_88, %dma_wait3A_89] : memref<10240x128xf32, #tpu.memory_space<vmem_shared>> -> memref<10240x128xf32, #tpu.memory_space<vmem_shared>>
        tpu.wait_indirect_dma semaphore(%run_scoped3A : memref<!tpu.dma_semaphore, #tpu.memory_space<semaphore_mem>>) src(%arg11 : memref<125x128xf32, #tpu.memory_space<vmem>>) dst(%dma_wait3A_90 : memref<10240x128xf32, #tpu.memory_space<vmem_shared>>)
        tpu.yield
      }) : () -> ()
    }
    %scan3A_16 = arith.constant 20 : i32
    %mul3A_17 = arith.constant 80 : i32
    %mul3A_18 = arith.muli %add3A, %mul3A_17 : i32
    %add3A_19 = arith.constant 40 : i32
    %add3A_20 = arith.addi %mul3A_18, %add3A_19 : i32
    "tpu.region"() ({
      %run_scoped3A = tpu.sem_alloc : memref<!tpu.dma_semaphore, #tpu.memory_space<semaphore_mem>>
      %dma_start3A_43 = arith.constant 0 : i32
      %dma_start3A_44 = tpu.memref_slice %arg3[%add3A_20, %dma_start3A_43] : memref<2560x125xi32, #tpu.memory_space<hbm>> -> memref<40x125xi32, #tpu.memory_space<hbm>>
      %dma_start3A_45 = arith.constant 0 : i32
      %dma_start3A_46 = tpu.memref_slice %arg3[%add3A_20, %dma_start3A_45] : memref<2560x125xi32, #tpu.memory_space<hbm>> -> memref<40x125xi32, #tpu.memory_space<hbm>>
      tpu.enqueue_dma source(%dma_start3A_46 : memref<40x125xi32, #tpu.memory_space<hbm>>) target(%arg8 : memref<40x125xi32, #tpu.memory_space<vmem>>) target_semaphore(%run_scoped3A : memref<!tpu.dma_semaphore, #tpu.memory_space<semaphore_mem>>)
      %dma_wait3A = arith.constant 0 : i32
      %dma_wait3A_47 = tpu.memref_slice %arg3[%add3A_20, %dma_wait3A] : memref<2560x125xi32, #tpu.memory_space<hbm>> -> memref<40x125xi32, #tpu.memory_space<hbm>>
      %dma_wait3A_48 = arith.constant 0 : i32
      %dma_wait3A_49 = tpu.memref_slice %arg3[%add3A_20, %dma_wait3A_48] : memref<2560x125xi32, #tpu.memory_space<hbm>> -> memref<40x125xi32, #tpu.memory_space<hbm>>
      tpu.wait_dma2 semaphore(%run_scoped3A : memref<!tpu.dma_semaphore, #tpu.memory_space<semaphore_mem>>) src(%dma_wait3A_49 : memref<40x125xi32, #tpu.memory_space<hbm>>) dst(%arg8 : memref<40x125xi32, #tpu.memory_space<vmem>>)
      tpu.yield
    }) : () -> ()
    "tpu.region"() ({
      %run_scoped3A = tpu.sem_alloc : memref<!tpu.dma_semaphore, #tpu.memory_space<semaphore_mem>>
      %dma_start3A_43 = arith.constant 0 : i32
      %dma_start3A_44 = tpu.memref_slice %arg4[%add3A_20, %dma_start3A_43] : memref<2560x125xi32, #tpu.memory_space<hbm>> -> memref<40x125xi32, #tpu.memory_space<hbm>>
      %dma_start3A_45 = arith.constant 0 : i32
      %dma_start3A_46 = tpu.memref_slice %arg4[%add3A_20, %dma_start3A_45] : memref<2560x125xi32, #tpu.memory_space<hbm>> -> memref<40x125xi32, #tpu.memory_space<hbm>>
      tpu.enqueue_dma source(%dma_start3A_46 : memref<40x125xi32, #tpu.memory_space<hbm>>) target(%arg9 : memref<40x125xi32, #tpu.memory_space<vmem>>) target_semaphore(%run_scoped3A : memref<!tpu.dma_semaphore, #tpu.memory_space<semaphore_mem>>)
      %dma_wait3A = arith.constant 0 : i32
      %dma_wait3A_47 = tpu.memref_slice %arg4[%add3A_20, %dma_wait3A] : memref<2560x125xi32, #tpu.memory_space<hbm>> -> memref<40x125xi32, #tpu.memory_space<hbm>>
      %dma_wait3A_48 = arith.constant 0 : i32
      %dma_wait3A_49 = tpu.memref_slice %arg4[%add3A_20, %dma_wait3A_48] : memref<2560x125xi32, #tpu.memory_space<hbm>> -> memref<40x125xi32, #tpu.memory_space<hbm>>
      tpu.wait_dma2 semaphore(%run_scoped3A : memref<!tpu.dma_semaphore, #tpu.memory_space<semaphore_mem>>) src(%dma_wait3A_49 : memref<40x125xi32, #tpu.memory_space<hbm>>) dst(%arg9 : memref<40x125xi32, #tpu.memory_space<vmem>>)
      tpu.yield
    }) : () -> ()
    %dma_start3A_21 = arith.constant 0 : i32
    %dma_start3A_22 = arith.constant 0 : i32
    %dma_start3A_23 = tpu.memref_slice %arg8[%dma_start3A_21, %dma_start3A_22] : memref<40x125xi32, #tpu.memory_space<vmem>> -> memref<1x125xi32, #tpu.memory_space<vmem>>
    %dma_start3A_24 = tpu.memref_squeeze %dma_start3A_23 : memref<1x125xi32, #tpu.memory_space<vmem>> -> memref<125xi32, #tpu.memory_space<vmem>>
    %dma_start3A_25 = arith.constant 0 : i32
    %dma_start3A_26 = arith.constant 0 : i32
    %dma_start3A_27 = tpu.memref_slice %arg2[%dma_start3A_25, %dma_start3A_26] : memref<10000x128xf32, #tpu.memory_space<hbm>> -> memref<10000x128xf32, #tpu.memory_space<hbm>>
    tpu.enqueue_indirect_dma source(%dma_start3A_27 : memref<10000x128xf32, #tpu.memory_space<hbm>>) target(%arg10 : memref<125x128xf32, #tpu.memory_space<vmem>>) offsets(%dma_start3A_24 : memref<125xi32, #tpu.memory_space<vmem>>) semaphore(%arg13 : memref<!tpu.dma_semaphore, #tpu.memory_space<semaphore_mem>>)
    %scan3A_28 = arith.constant 0 : i32
    %scan3A_29 = arith.constant 20 : i32
    %scan3A_30 = arith.addi %scan3A_28, %scan3A_29 : i32
    %scan3A_31 = arith.constant 1 : i32
    scf.for %scan3A_43 = %scan3A_28 to %scan3A_30 step %scan3A_31  : i32 {
      %mul3A_44 = arith.constant 1 : i32
      %mul3A_45 = arith.muli %scan3A_43, %mul3A_44 : i32
      %add3A_46 = arith.constant 0 : i32
      %add3A_47 = arith.addi %add3A_46, %mul3A_45 : i32
      %mul3A_48 = arith.constant 2 : i32
      %mul3A_49 = arith.muli %mul3A_48, %add3A_47 : i32
      %add3A_50 = arith.constant 1 : i32
      %add3A_51 = arith.addi %mul3A_49, %add3A_50 : i32
      %dma_start3A_52 = arith.constant 0 : i32
      %dma_start3A_53 = tpu.memref_slice %arg8[%add3A_51, %dma_start3A_52] : memref<40x125xi32, #tpu.memory_space<vmem>> -> memref<1x125xi32, #tpu.memory_space<vmem>>
      %dma_start3A_54 = tpu.memref_squeeze %dma_start3A_53 : memref<1x125xi32, #tpu.memory_space<vmem>> -> memref<125xi32, #tpu.memory_space<vmem>>
      %dma_start3A_55 = arith.constant 0 : i32
      %dma_start3A_56 = arith.constant 0 : i32
      %dma_start3A_57 = tpu.memref_slice %arg2[%dma_start3A_55, %dma_start3A_56] : memref<10000x128xf32, #tpu.memory_space<hbm>> -> memref<10000x128xf32, #tpu.memory_space<hbm>>
      tpu.enqueue_indirect_dma source(%dma_start3A_57 : memref<10000x128xf32, #tpu.memory_space<hbm>>) target(%arg11 : memref<125x128xf32, #tpu.memory_space<vmem>>) offsets(%dma_start3A_54 : memref<125xi32, #tpu.memory_space<vmem>>) semaphore(%arg14 : memref<!tpu.dma_semaphore, #tpu.memory_space<semaphore_mem>>)
      %dma_wait3A = arith.constant 0 : i32
      %dma_wait3A_58 = tpu.memref_slice %arg8[%mul3A_49, %dma_wait3A] : memref<40x125xi32, #tpu.memory_space<vmem>> -> memref<1x125xi32, #tpu.memory_space<vmem>>
      %dma_wait3A_59 = tpu.memref_squeeze %dma_wait3A_58 : memref<1x125xi32, #tpu.memory_space<vmem>> -> memref<125xi32, #tpu.memory_space<vmem>>
      %dma_wait3A_60 = arith.constant 0 : i32
      %dma_wait3A_61 = arith.constant 0 : i32
      %dma_wait3A_62 = tpu.memref_slice %arg2[%dma_wait3A_60, %dma_wait3A_61] : memref<10000x128xf32, #tpu.memory_space<hbm>> -> memref<10000x128xf32, #tpu.memory_space<hbm>>
      tpu.wait_indirect_dma semaphore(%arg13 : memref<!tpu.dma_semaphore, #tpu.memory_space<semaphore_mem>>) src(%dma_wait3A_62 : memref<10000x128xf32, #tpu.memory_space<hbm>>) dst(%arg10 : memref<125x128xf32, #tpu.memory_space<vmem>>)
      "tpu.region"() ({
        %run_scoped3A = tpu.sem_alloc : memref<!tpu.dma_semaphore, #tpu.memory_space<semaphore_mem>>
        %dma_start3A_79 = arith.constant 0 : i32
        %dma_start3A_80 = tpu.memref_slice %arg9[%mul3A_49, %dma_start3A_79] : memref<40x125xi32, #tpu.memory_space<vmem>> -> memref<1x125xi32, #tpu.memory_space<vmem>>
        %dma_start3A_81 = tpu.memref_squeeze %dma_start3A_80 : memref<1x125xi32, #tpu.memory_space<vmem>> -> memref<125xi32, #tpu.memory_space<vmem>>
        %dma_start3A_82 = arith.constant 0 : i32
        %dma_start3A_83 = arith.constant 0 : i32
        %dma_start3A_84 = tpu.memref_slice %arg12[%dma_start3A_82, %dma_start3A_83] : memref<10240x128xf32, #tpu.memory_space<vmem_shared>> -> memref<10240x128xf32, #tpu.memory_space<vmem_shared>>
        tpu.enqueue_indirect_dma source(%arg10 : memref<125x128xf32, #tpu.memory_space<vmem>>) target(%dma_start3A_84 : memref<10240x128xf32, #tpu.memory_space<vmem_shared>>) offsets(%dma_start3A_81 : memref<125xi32, #tpu.memory_space<vmem>>) semaphore(%run_scoped3A : memref<!tpu.dma_semaphore, #tpu.memory_space<semaphore_mem>>) {add = true}
        %dma_wait3A_85 = arith.constant 0 : i32
        %dma_wait3A_86 = tpu.memref_slice %arg9[%mul3A_49, %dma_wait3A_85] : memref<40x125xi32, #tpu.memory_space<vmem>> -> memref<1x125xi32, #tpu.memory_space<vmem>>
        %dma_wait3A_87 = tpu.memref_squeeze %dma_wait3A_86 : memref<1x125xi32, #tpu.memory_space<vmem>> -> memref<125xi32, #tpu.memory_space<vmem>>
        %dma_wait3A_88 = arith.constant 0 : i32
        %dma_wait3A_89 = arith.constant 0 : i32
        %dma_wait3A_90 = tpu.memref_slice %arg12[%dma_wait3A_88, %dma_wait3A_89] : memref<10240x128xf32, #tpu.memory_space<vmem_shared>> -> memref<10240x128xf32, #tpu.memory_space<vmem_shared>>
        tpu.wait_indirect_dma semaphore(%run_scoped3A : memref<!tpu.dma_semaphore, #tpu.memory_space<semaphore_mem>>) src(%arg10 : memref<125x128xf32, #tpu.memory_space<vmem>>) dst(%dma_wait3A_90 : memref<10240x128xf32, #tpu.memory_space<vmem_shared>>)
        tpu.yield
      }) : () -> ()
      %add3A_63 = arith.constant 2 : i32
      %add3A_64 = arith.addi %mul3A_49, %add3A_63 : i32
      %lt3A = arith.constant 40 : i32
      %lt3A_65 = arith.cmpi slt, %add3A_64, %lt3A : i32
      %convert_element_type3A_66 = arith.extui %lt3A_65 : i1 to i32
      %cond3A_67 = arith.constant 0 : i32
      %cond3A_68 = arith.cmpi ne, %convert_element_type3A_66, %cond3A_67 : i32
      scf.if %cond3A_68 {
        %add3A_79 = arith.constant 2 : i32
        %add3A_80 = arith.addi %mul3A_49, %add3A_79 : i32
        %dma_start3A_81 = arith.constant 0 : i32
        %dma_start3A_82 = tpu.memref_slice %arg8[%add3A_80, %dma_start3A_81] : memref<40x125xi32, #tpu.memory_space<vmem>> -> memref<1x125xi32, #tpu.memory_space<vmem>>
        %dma_start3A_83 = tpu.memref_squeeze %dma_start3A_82 : memref<1x125xi32, #tpu.memory_space<vmem>> -> memref<125xi32, #tpu.memory_space<vmem>>
        %dma_start3A_84 = arith.constant 0 : i32
        %dma_start3A_85 = arith.constant 0 : i32
        %dma_start3A_86 = tpu.memref_slice %arg2[%dma_start3A_84, %dma_start3A_85] : memref<10000x128xf32, #tpu.memory_space<hbm>> -> memref<10000x128xf32, #tpu.memory_space<hbm>>
        tpu.enqueue_indirect_dma source(%dma_start3A_86 : memref<10000x128xf32, #tpu.memory_space<hbm>>) target(%arg10 : memref<125x128xf32, #tpu.memory_space<vmem>>) offsets(%dma_start3A_83 : memref<125xi32, #tpu.memory_space<vmem>>) semaphore(%arg13 : memref<!tpu.dma_semaphore, #tpu.memory_space<semaphore_mem>>)
      } else {
      }
      %add3A_69 = arith.constant 1 : i32
      %add3A_70 = arith.addi %mul3A_49, %add3A_69 : i32
      %dma_wait3A_71 = arith.constant 0 : i32
      %dma_wait3A_72 = tpu.memref_slice %arg8[%add3A_70, %dma_wait3A_71] : memref<40x125xi32, #tpu.memory_space<vmem>> -> memref<1x125xi32, #tpu.memory_space<vmem>>
      %dma_wait3A_73 = tpu.memref_squeeze %dma_wait3A_72 : memref<1x125xi32, #tpu.memory_space<vmem>> -> memref<125xi32, #tpu.memory_space<vmem>>
      %dma_wait3A_74 = arith.constant 0 : i32
      %dma_wait3A_75 = arith.constant 0 : i32
      %dma_wait3A_76 = tpu.memref_slice %arg2[%dma_wait3A_74, %dma_wait3A_75] : memref<10000x128xf32, #tpu.memory_space<hbm>> -> memref<10000x128xf32, #tpu.memory_space<hbm>>
      tpu.wait_indirect_dma semaphore(%arg14 : memref<!tpu.dma_semaphore, #tpu.memory_space<semaphore_mem>>) src(%dma_wait3A_76 : memref<10000x128xf32, #tpu.memory_space<hbm>>) dst(%arg11 : memref<125x128xf32, #tpu.memory_space<vmem>>)
      %add3A_77 = arith.constant 1 : i32
      %add3A_78 = arith.addi %mul3A_49, %add3A_77 : i32
      "tpu.region"() ({
        %run_scoped3A = tpu.sem_alloc : memref<!tpu.dma_semaphore, #tpu.memory_space<semaphore_mem>>
        %dma_start3A_79 = arith.constant 0 : i32
        %dma_start3A_80 = tpu.memref_slice %arg9[%add3A_78, %dma_start3A_79] : memref<40x125xi32, #tpu.memory_space<vmem>> -> memref<1x125xi32, #tpu.memory_space<vmem>>
        %dma_start3A_81 = tpu.memref_squeeze %dma_start3A_80 : memref<1x125xi32, #tpu.memory_space<vmem>> -> memref<125xi32, #tpu.memory_space<vmem>>
        %dma_start3A_82 = arith.constant 0 : i32
        %dma_start3A_83 = arith.constant 0 : i32
        %dma_start3A_84 = tpu.memref_slice %arg12[%dma_start3A_82, %dma_start3A_83] : memref<10240x128xf32, #tpu.memory_space<vmem_shared>> -> memref<10240x128xf32, #tpu.memory_space<vmem_shared>>
        tpu.enqueue_indirect_dma source(%arg11 : memref<125x128xf32, #tpu.memory_space<vmem>>) target(%dma_start3A_84 : memref<10240x128xf32, #tpu.memory_space<vmem_shared>>) offsets(%dma_start3A_81 : memref<125xi32, #tpu.memory_space<vmem>>) semaphore(%run_scoped3A : memref<!tpu.dma_semaphore, #tpu.memory_space<semaphore_mem>>) {add = true}
        %dma_wait3A_85 = arith.constant 0 : i32
        %dma_wait3A_86 = tpu.memref_slice %arg9[%add3A_78, %dma_wait3A_85] : memref<40x125xi32, #tpu.memory_space<vmem>> -> memref<1x125xi32, #tpu.memory_space<vmem>>
        %dma_wait3A_87 = tpu.memref_squeeze %dma_wait3A_86 : memref<1x125xi32, #tpu.memory_space<vmem>> -> memref<125xi32, #tpu.memory_space<vmem>>
        %dma_wait3A_88 = arith.constant 0 : i32
        %dma_wait3A_89 = arith.constant 0 : i32
        %dma_wait3A_90 = tpu.memref_slice %arg12[%dma_wait3A_88, %dma_wait3A_89] : memref<10240x128xf32, #tpu.memory_space<vmem_shared>> -> memref<10240x128xf32, #tpu.memory_space<vmem_shared>>
        tpu.wait_indirect_dma semaphore(%run_scoped3A : memref<!tpu.dma_semaphore, #tpu.memory_space<semaphore_mem>>) src(%arg11 : memref<125x128xf32, #tpu.memory_space<vmem>>) dst(%dma_wait3A_90 : memref<10240x128xf32, #tpu.memory_space<vmem_shared>>)
        tpu.yield
      }) : () -> ()
    }
    %scan3A_32 = arith.constant 20 : i32
    %barrier3A_33 = arith.constant 0 : index
    tpu.barrier barrier_id(%barrier3A_33)
    %mul3A_34 = arith.constant 640 : i32
    %mul3A_35 = arith.muli %arg1, %mul3A_34 : i32
    %eq3A = arith.constant 0 : i32
    %eq3A_36 = arith.cmpi eq, %arg0, %eq3A : i32
    %convert_element_type3A = arith.extui %eq3A_36 : i1 to i32
    %cond3A = arith.constant 0 : i32
    %cond3A_37 = arith.cmpi ne, %convert_element_type3A, %cond3A : i32
    scf.if %cond3A_37 {
      "tpu.region"() ({
        %run_scoped3A = tpu.sem_alloc : memref<!tpu.dma_semaphore, #tpu.memory_space<semaphore_mem>>
        %dma_start3A_43 = arith.constant 0 : i32
        %dma_start3A_44 = tpu.memref_slice %arg6[%mul3A_35, %dma_start3A_43] : memref<10240x128xf32, #tpu.memory_space<hbm>> -> memref<640x128xf32, #tpu.memory_space<hbm>>
        %dma_start3A_45 = arith.constant 0 : i32
        %dma_start3A_46 = tpu.memref_slice %arg12[%mul3A_35, %dma_start3A_45] : memref<10240x128xf32, #tpu.memory_space<vmem_shared>> -> memref<640x128xf32, #tpu.memory_space<vmem_shared>>
        tpu.enqueue_dma source(%dma_start3A_46 : memref<640x128xf32, #tpu.memory_space<vmem_shared>>) target(%dma_start3A_44 : memref<640x128xf32, #tpu.memory_space<hbm>>) target_semaphore(%run_scoped3A : memref<!tpu.dma_semaphore, #tpu.memory_space<semaphore_mem>>)
        %dma_wait3A = arith.constant 0 : i32
        %dma_wait3A_47 = tpu.memref_slice %arg6[%mul3A_35, %dma_wait3A] : memref<10240x128xf32, #tpu.memory_space<hbm>> -> memref<640x128xf32, #tpu.memory_space<hbm>>
        %dma_wait3A_48 = arith.constant 0 : i32
        %dma_wait3A_49 = tpu.memref_slice %arg12[%mul3A_35, %dma_wait3A_48] : memref<10240x128xf32, #tpu.memory_space<vmem_shared>> -> memref<640x128xf32, #tpu.memory_space<vmem_shared>>
        tpu.wait_dma2 semaphore(%run_scoped3A : memref<!tpu.dma_semaphore, #tpu.memory_space<semaphore_mem>>) src(%dma_wait3A_49 : memref<640x128xf32, #tpu.memory_space<vmem_shared>>) dst(%dma_wait3A_47 : memref<640x128xf32, #tpu.memory_space<hbm>>)
        tpu.yield
      }) : () -> ()
    } else {
    }
    %eq3A_38 = arith.constant 1 : i32
    %eq3A_39 = arith.cmpi eq, %arg0, %eq3A_38 : i32
    %convert_element_type3A_40 = arith.extui %eq3A_39 : i1 to i32
    %cond3A_41 = arith.constant 0 : i32
    %cond3A_42 = arith.cmpi ne, %convert_element_type3A_40, %cond3A_41 : i32
    scf.if %cond3A_42 {
      "tpu.region"() ({
        %run_scoped3A = tpu.sem_alloc : memref<!tpu.dma_semaphore, #tpu.memory_space<semaphore_mem>>
        %dma_start3A_43 = arith.constant 0 : i32
        %dma_start3A_44 = tpu.memref_slice %arg7[%mul3A_35, %dma_start3A_43] : memref<10240x128xf32, #tpu.memory_space<hbm>> -> memref<640x128xf32, #tpu.memory_space<hbm>>
        %dma_start3A_45 = arith.constant 0 : i32
        %dma_start3A_46 = tpu.memref_slice %arg12[%mul3A_35, %dma_start3A_45] : memref<10240x128xf32, #tpu.memory_space<vmem_shared>> -> memref<640x128xf32, #tpu.memory_space<vmem_shared>>
        tpu.enqueue_dma source(%dma_start3A_46 : memref<640x128xf32, #tpu.memory_space<vmem_shared>>) target(%dma_start3A_44 : memref<640x128xf32, #tpu.memory_space<hbm>>) target_semaphore(%run_scoped3A : memref<!tpu.dma_semaphore, #tpu.memory_space<semaphore_mem>>)
        %dma_wait3A = arith.constant 0 : i32
        %dma_wait3A_47 = tpu.memref_slice %arg7[%mul3A_35, %dma_wait3A] : memref<10240x128xf32, #tpu.memory_space<hbm>> -> memref<640x128xf32, #tpu.memory_space<hbm>>
        %dma_wait3A_48 = arith.constant 0 : i32
        %dma_wait3A_49 = tpu.memref_slice %arg12[%mul3A_35, %dma_wait3A_48] : memref<10240x128xf32, #tpu.memory_space<vmem_shared>> -> memref<640x128xf32, #tpu.memory_space<vmem_shared>>
        tpu.wait_dma2 semaphore(%run_scoped3A : memref<!tpu.dma_semaphore, #tpu.memory_space<semaphore_mem>>) src(%dma_wait3A_49 : memref<640x128xf32, #tpu.memory_space<vmem_shared>>) dst(%dma_wait3A_47 : memref<640x128xf32, #tpu.memory_space<hbm>>)
        tpu.yield
      }) : () -> ()
    } else {
    }
    return
  }
}

#map = affine_map<(d0, d1) -> (0, 0)>
#map1 = affine_map<(d0, d1) -> (0)>
module attributes {stable_mosaic.version = 14 : i64} {
  func.func @_sc_degree(%arg0: i32, %arg1: i32, %arg2: memref<2560x125xi32, #tpu.memory_space<hbm>>, %arg3: memref<640xf32, #tpu.memory_space<hbm>>, %arg4: memref<125xf32, #tpu.memory_space<hbm>>, %arg5: memref<2x10240xf32, #tpu.memory_space<hbm>>, %arg6: memref<80x125xi32, #tpu.memory_space<vmem>>, %arg7: memref<125xf32, #tpu.memory_space<vmem>>, %arg8: memref<10240xf32, #tpu.memory_space<vmem_shared>>) attributes {dimension_semantics = [#tpu.dimension_semantics<core_parallel>, #tpu.dimension_semantics<subcore_parallel>], iteration_bounds = array<i64: 2, 16>, scalar_prefetch = 0 : i64, scratch_operands = 3 : i64, tpu.core_type = #tpu.core_type<sc_vector_subcore>, window_params = [{transform_indices = #map}, {transform_indices = #map1}, {transform_indices = #map1}, {transform_indices = #map}]} {
    %mul3A = arith.constant 16 : i32
    %mul3A_0 = arith.muli %arg0, %mul3A : i32
    %add3A = arith.addi %mul3A_0, %arg1 : i32
    %mul3A_1 = arith.constant 640 : i32
    %mul3A_2 = arith.muli %arg1, %mul3A_1 : i32
    "tpu.region"() ({
      %run_scoped3A = tpu.sem_alloc : memref<!tpu.dma_semaphore, #tpu.memory_space<semaphore_mem>>
      %dma_start3A = tpu.memref_slice %arg8[%mul3A_2] : memref<10240xf32, #tpu.memory_space<vmem_shared>> -> memref<640xf32, #tpu.memory_space<vmem_shared>>
      tpu.enqueue_dma source(%arg3 : memref<640xf32, #tpu.memory_space<hbm>>) target(%dma_start3A : memref<640xf32, #tpu.memory_space<vmem_shared>>) target_semaphore(%run_scoped3A : memref<!tpu.dma_semaphore, #tpu.memory_space<semaphore_mem>>)
      %dma_wait3A = tpu.memref_slice %arg8[%mul3A_2] : memref<10240xf32, #tpu.memory_space<vmem_shared>> -> memref<640xf32, #tpu.memory_space<vmem_shared>>
      tpu.wait_dma2 semaphore(%run_scoped3A : memref<!tpu.dma_semaphore, #tpu.memory_space<semaphore_mem>>) src(%arg3 : memref<640xf32, #tpu.memory_space<hbm>>) dst(%dma_wait3A : memref<640xf32, #tpu.memory_space<vmem_shared>>)
      tpu.yield
    }) : () -> ()
    "tpu.region"() ({
      %run_scoped3A = tpu.sem_alloc : memref<!tpu.dma_semaphore, #tpu.memory_space<semaphore_mem>>
      tpu.enqueue_dma source(%arg4 : memref<125xf32, #tpu.memory_space<hbm>>) target(%arg7 : memref<125xf32, #tpu.memory_space<vmem>>) target_semaphore(%run_scoped3A : memref<!tpu.dma_semaphore, #tpu.memory_space<semaphore_mem>>)
      tpu.wait_dma2 semaphore(%run_scoped3A : memref<!tpu.dma_semaphore, #tpu.memory_space<semaphore_mem>>) src(%arg4 : memref<125xf32, #tpu.memory_space<hbm>>) dst(%arg7 : memref<125xf32, #tpu.memory_space<vmem>>)
      tpu.yield
    }) : () -> ()
    %mul3A_3 = arith.constant 80 : i32
    %mul3A_4 = arith.muli %add3A, %mul3A_3 : i32
    "tpu.region"() ({
      %run_scoped3A = tpu.sem_alloc : memref<!tpu.dma_semaphore, #tpu.memory_space<semaphore_mem>>
      %dma_start3A = arith.constant 0 : i32
      %dma_start3A_14 = tpu.memref_slice %arg2[%mul3A_4, %dma_start3A] : memref<2560x125xi32, #tpu.memory_space<hbm>> -> memref<80x125xi32, #tpu.memory_space<hbm>>
      %dma_start3A_15 = arith.constant 0 : i32
      %dma_start3A_16 = tpu.memref_slice %arg2[%mul3A_4, %dma_start3A_15] : memref<2560x125xi32, #tpu.memory_space<hbm>> -> memref<80x125xi32, #tpu.memory_space<hbm>>
      tpu.enqueue_dma source(%dma_start3A_16 : memref<80x125xi32, #tpu.memory_space<hbm>>) target(%arg6 : memref<80x125xi32, #tpu.memory_space<vmem>>) target_semaphore(%run_scoped3A : memref<!tpu.dma_semaphore, #tpu.memory_space<semaphore_mem>>)
      %dma_wait3A = arith.constant 0 : i32
      %dma_wait3A_17 = tpu.memref_slice %arg2[%mul3A_4, %dma_wait3A] : memref<2560x125xi32, #tpu.memory_space<hbm>> -> memref<80x125xi32, #tpu.memory_space<hbm>>
      %dma_wait3A_18 = arith.constant 0 : i32
      %dma_wait3A_19 = tpu.memref_slice %arg2[%mul3A_4, %dma_wait3A_18] : memref<2560x125xi32, #tpu.memory_space<hbm>> -> memref<80x125xi32, #tpu.memory_space<hbm>>
      tpu.wait_dma2 semaphore(%run_scoped3A : memref<!tpu.dma_semaphore, #tpu.memory_space<semaphore_mem>>) src(%dma_wait3A_19 : memref<80x125xi32, #tpu.memory_space<hbm>>) dst(%arg6 : memref<80x125xi32, #tpu.memory_space<vmem>>)
      tpu.yield
    }) : () -> ()
    %barrier3A = arith.constant 0 : index
    tpu.barrier barrier_id(%barrier3A)
    %scan3A = arith.constant 0 : i32
    %scan3A_5 = arith.constant 80 : i32
    %scan3A_6 = arith.addi %scan3A, %scan3A_5 : i32
    %scan3A_7 = arith.constant 1 : i32
    scf.for %scan3A_14 = %scan3A to %scan3A_6 step %scan3A_7  : i32 {
      %mul3A_15 = arith.constant 1 : i32
      %mul3A_16 = arith.muli %scan3A_14, %mul3A_15 : i32
      %add3A_17 = arith.constant 0 : i32
      %add3A_18 = arith.addi %add3A_17, %mul3A_16 : i32
      "tpu.region"() ({
        %run_scoped3A = tpu.sem_alloc : memref<!tpu.dma_semaphore, #tpu.memory_space<semaphore_mem>>
        %dma_start3A = arith.constant 0 : i32
        %dma_start3A_19 = tpu.memref_slice %arg6[%add3A_18, %dma_start3A] : memref<80x125xi32, #tpu.memory_space<vmem>> -> memref<1x125xi32, #tpu.memory_space<vmem>>
        %dma_start3A_20 = tpu.memref_squeeze %dma_start3A_19 : memref<1x125xi32, #tpu.memory_space<vmem>> -> memref<125xi32, #tpu.memory_space<vmem>>
        %dma_start3A_21 = arith.constant 0 : i32
        %dma_start3A_22 = tpu.memref_slice %arg8[%dma_start3A_21] : memref<10240xf32, #tpu.memory_space<vmem_shared>> -> memref<10240xf32, #tpu.memory_space<vmem_shared>>
        tpu.enqueue_indirect_dma source(%arg7 : memref<125xf32, #tpu.memory_space<vmem>>) target(%dma_start3A_22 : memref<10240xf32, #tpu.memory_space<vmem_shared>>) offsets(%dma_start3A_20 : memref<125xi32, #tpu.memory_space<vmem>>) semaphore(%run_scoped3A : memref<!tpu.dma_semaphore, #tpu.memory_space<semaphore_mem>>) {add = true}
        %dma_wait3A = arith.constant 0 : i32
        %dma_wait3A_23 = tpu.memref_slice %arg6[%add3A_18, %dma_wait3A] : memref<80x125xi32, #tpu.memory_space<vmem>> -> memref<1x125xi32, #tpu.memory_space<vmem>>
        %dma_wait3A_24 = tpu.memref_squeeze %dma_wait3A_23 : memref<1x125xi32, #tpu.memory_space<vmem>> -> memref<125xi32, #tpu.memory_space<vmem>>
        %dma_wait3A_25 = arith.constant 0 : i32
        %dma_wait3A_26 = tpu.memref_slice %arg8[%dma_wait3A_25] : memref<10240xf32, #tpu.memory_space<vmem_shared>> -> memref<10240xf32, #tpu.memory_space<vmem_shared>>
        tpu.wait_indirect_dma semaphore(%run_scoped3A : memref<!tpu.dma_semaphore, #tpu.memory_space<semaphore_mem>>) src(%arg7 : memref<125xf32, #tpu.memory_space<vmem>>) dst(%dma_wait3A_26 : memref<10240xf32, #tpu.memory_space<vmem_shared>>)
        tpu.yield
      }) : () -> ()
    }
    %scan3A_8 = arith.constant 80 : i32
    %barrier3A_9 = arith.constant 0 : index
    tpu.barrier barrier_id(%barrier3A_9)
    %mul3A_10 = arith.constant 640 : i32
    %mul3A_11 = arith.muli %arg1, %mul3A_10 : i32
    %mul3A_12 = arith.constant 640 : i32
    %mul3A_13 = arith.muli %arg1, %mul3A_12 : i32
    "tpu.region"() ({
      %run_scoped3A = tpu.sem_alloc : memref<!tpu.dma_semaphore, #tpu.memory_space<semaphore_mem>>
      %dma_start3A = tpu.memref_slice %arg5[%arg0, %mul3A_13] : memref<2x10240xf32, #tpu.memory_space<hbm>> -> memref<1x640xf32, #tpu.memory_space<hbm>>
      %dma_start3A_14 = tpu.memref_squeeze %dma_start3A : memref<1x640xf32, #tpu.memory_space<hbm>> -> memref<640xf32, #tpu.memory_space<hbm>>
      %dma_start3A_15 = tpu.memref_slice %arg8[%mul3A_11] : memref<10240xf32, #tpu.memory_space<vmem_shared>> -> memref<640xf32, #tpu.memory_space<vmem_shared>>
      tpu.enqueue_dma source(%dma_start3A_15 : memref<640xf32, #tpu.memory_space<vmem_shared>>) target(%dma_start3A_14 : memref<640xf32, #tpu.memory_space<hbm>>) target_semaphore(%run_scoped3A : memref<!tpu.dma_semaphore, #tpu.memory_space<semaphore_mem>>)
      %dma_wait3A = tpu.memref_slice %arg5[%arg0, %mul3A_13] : memref<2x10240xf32, #tpu.memory_space<hbm>> -> memref<1x640xf32, #tpu.memory_space<hbm>>
      %dma_wait3A_16 = tpu.memref_squeeze %dma_wait3A : memref<1x640xf32, #tpu.memory_space<hbm>> -> memref<640xf32, #tpu.memory_space<hbm>>
      %dma_wait3A_17 = tpu.memref_slice %arg8[%mul3A_11] : memref<10240xf32, #tpu.memory_space<vmem_shared>> -> memref<640xf32, #tpu.memory_space<vmem_shared>>
      tpu.wait_dma2 semaphore(%run_scoped3A : memref<!tpu.dma_semaphore, #tpu.memory_space<semaphore_mem>>) src(%dma_wait3A_17 : memref<640xf32, #tpu.memory_space<vmem_shared>>) dst(%dma_wait3A_16 : memref<640xf32, #tpu.memory_space<hbm>>)
      tpu.yield
    }) : () -> ()
    return
  }
}

#map = affine_map<(d0, d1) -> (0, 0)>
module attributes {stable_mosaic.version = 14 : i64} {
  func.func @_sc_prop(%arg0: i32, %arg1: i32, %arg2: memref<10000x128xf32, #tpu.memory_space<hbm>>, %arg3: memref<2560x125xi32, #tpu.memory_space<hbm>>, %arg4: memref<2560x125xi32, #tpu.memory_space<hbm>>, %arg5: memref<640x128xf32, #tpu.memory_space<hbm>>, %arg6: memref<10240x128xf32, #tpu.memory_space<hbm>>, %arg7: memref<10240x128xf32, #tpu.memory_space<hbm>>, %arg8: memref<40x125xi32, #tpu.memory_space<vmem>>, %arg9: memref<40x125xi32, #tpu.memory_space<vmem>>, %arg10: memref<125x128xf32, #tpu.memory_space<vmem>>, %arg11: memref<125x128xf32, #tpu.memory_space<vmem>>, %arg12: memref<10240x128xf32, #tpu.memory_space<vmem_shared>>, %arg13: memref<!tpu.dma_semaphore, #tpu.memory_space<semaphore_mem>>, %arg14: memref<!tpu.dma_semaphore, #tpu.memory_space<semaphore_mem>>) attributes {dimension_semantics = [#tpu.dimension_semantics<core_parallel>, #tpu.dimension_semantics<subcore_parallel>], iteration_bounds = array<i64: 2, 16>, scalar_prefetch = 0 : i64, scratch_operands = 7 : i64, tpu.core_type = #tpu.core_type<sc_vector_subcore>, window_params = [{transform_indices = #map}, {transform_indices = #map}, {transform_indices = #map}, {transform_indices = #map}, {transform_indices = #map}, {transform_indices = #map}]} {
    %mul3A = arith.constant 16 : i32
    %mul3A_0 = arith.muli %arg0, %mul3A : i32
    %add3A = arith.addi %mul3A_0, %arg1 : i32
    %mul3A_1 = arith.constant 640 : i32
    %mul3A_2 = arith.muli %arg1, %mul3A_1 : i32
    "tpu.region"() ({
      %run_scoped3A = tpu.sem_alloc : memref<!tpu.dma_semaphore, #tpu.memory_space<semaphore_mem>>
      %dma_start3A_43 = arith.constant 0 : i32
      %dma_start3A_44 = tpu.memref_slice %arg12[%mul3A_2, %dma_start3A_43] : memref<10240x128xf32, #tpu.memory_space<vmem_shared>> -> memref<640x128xf32, #tpu.memory_space<vmem_shared>>
      tpu.enqueue_dma source(%arg5 : memref<640x128xf32, #tpu.memory_space<hbm>>) target(%dma_start3A_44 : memref<640x128xf32, #tpu.memory_space<vmem_shared>>) target_semaphore(%run_scoped3A : memref<!tpu.dma_semaphore, #tpu.memory_space<semaphore_mem>>)
      %dma_wait3A = arith.constant 0 : i32
      %dma_wait3A_45 = tpu.memref_slice %arg12[%mul3A_2, %dma_wait3A] : memref<10240x128xf32, #tpu.memory_space<vmem_shared>> -> memref<640x128xf32, #tpu.memory_space<vmem_shared>>
      tpu.wait_dma2 semaphore(%run_scoped3A : memref<!tpu.dma_semaphore, #tpu.memory_space<semaphore_mem>>) src(%arg5 : memref<640x128xf32, #tpu.memory_space<hbm>>) dst(%dma_wait3A_45 : memref<640x128xf32, #tpu.memory_space<vmem_shared>>)
      tpu.yield
    }) : () -> ()
    %barrier3A = arith.constant 0 : index
    tpu.barrier barrier_id(%barrier3A)
    %mul3A_3 = arith.constant 80 : i32
    %mul3A_4 = arith.muli %add3A, %mul3A_3 : i32
    %add3A_5 = arith.constant 0 : i32
    %add3A_6 = arith.addi %mul3A_4, %add3A_5 : i32
    "tpu.region"() ({
      %run_scoped3A = tpu.sem_alloc : memref<!tpu.dma_semaphore, #tpu.memory_space<semaphore_mem>>
      %dma_start3A_43 = arith.constant 0 : i32
      %dma_start3A_44 = tpu.memref_slice %arg3[%add3A_6, %dma_start3A_43] : memref<2560x125xi32, #tpu.memory_space<hbm>> -> memref<40x125xi32, #tpu.memory_space<hbm>>
      %dma_start3A_45 = arith.constant 0 : i32
      %dma_start3A_46 = tpu.memref_slice %arg3[%add3A_6, %dma_start3A_45] : memref<2560x125xi32, #tpu.memory_space<hbm>> -> memref<40x125xi32, #tpu.memory_space<hbm>>
      tpu.enqueue_dma source(%dma_start3A_46 : memref<40x125xi32, #tpu.memory_space<hbm>>) target(%arg8 : memref<40x125xi32, #tpu.memory_space<vmem>>) target_semaphore(%run_scoped3A : memref<!tpu.dma_semaphore, #tpu.memory_space<semaphore_mem>>)
      %dma_wait3A = arith.constant 0 : i32
      %dma_wait3A_47 = tpu.memref_slice %arg3[%add3A_6, %dma_wait3A] : memref<2560x125xi32, #tpu.memory_space<hbm>> -> memref<40x125xi32, #tpu.memory_space<hbm>>
      %dma_wait3A_48 = arith.constant 0 : i32
      %dma_wait3A_49 = tpu.memref_slice %arg3[%add3A_6, %dma_wait3A_48] : memref<2560x125xi32, #tpu.memory_space<hbm>> -> memref<40x125xi32, #tpu.memory_space<hbm>>
      tpu.wait_dma2 semaphore(%run_scoped3A : memref<!tpu.dma_semaphore, #tpu.memory_space<semaphore_mem>>) src(%dma_wait3A_49 : memref<40x125xi32, #tpu.memory_space<hbm>>) dst(%arg8 : memref<40x125xi32, #tpu.memory_space<vmem>>)
      tpu.yield
    }) : () -> ()
    "tpu.region"() ({
      %run_scoped3A = tpu.sem_alloc : memref<!tpu.dma_semaphore, #tpu.memory_space<semaphore_mem>>
      %dma_start3A_43 = arith.constant 0 : i32
      %dma_start3A_44 = tpu.memref_slice %arg4[%add3A_6, %dma_start3A_43] : memref<2560x125xi32, #tpu.memory_space<hbm>> -> memref<40x125xi32, #tpu.memory_space<hbm>>
      %dma_start3A_45 = arith.constant 0 : i32
      %dma_start3A_46 = tpu.memref_slice %arg4[%add3A_6, %dma_start3A_45] : memref<2560x125xi32, #tpu.memory_space<hbm>> -> memref<40x125xi32, #tpu.memory_space<hbm>>
      tpu.enqueue_dma source(%dma_start3A_46 : memref<40x125xi32, #tpu.memory_space<hbm>>) target(%arg9 : memref<40x125xi32, #tpu.memory_space<vmem>>) target_semaphore(%run_scoped3A : memref<!tpu.dma_semaphore, #tpu.memory_space<semaphore_mem>>)
      %dma_wait3A = arith.constant 0 : i32
      %dma_wait3A_47 = tpu.memref_slice %arg4[%add3A_6, %dma_wait3A] : memref<2560x125xi32, #tpu.memory_space<hbm>> -> memref<40x125xi32, #tpu.memory_space<hbm>>
      %dma_wait3A_48 = arith.constant 0 : i32
      %dma_wait3A_49 = tpu.memref_slice %arg4[%add3A_6, %dma_wait3A_48] : memref<2560x125xi32, #tpu.memory_space<hbm>> -> memref<40x125xi32, #tpu.memory_space<hbm>>
      tpu.wait_dma2 semaphore(%run_scoped3A : memref<!tpu.dma_semaphore, #tpu.memory_space<semaphore_mem>>) src(%dma_wait3A_49 : memref<40x125xi32, #tpu.memory_space<hbm>>) dst(%arg9 : memref<40x125xi32, #tpu.memory_space<vmem>>)
      tpu.yield
    }) : () -> ()
    %dma_start3A = arith.constant 0 : i32
    %dma_start3A_7 = arith.constant 0 : i32
    %dma_start3A_8 = tpu.memref_slice %arg8[%dma_start3A, %dma_start3A_7] : memref<40x125xi32, #tpu.memory_space<vmem>> -> memref<1x125xi32, #tpu.memory_space<vmem>>
    %dma_start3A_9 = tpu.memref_squeeze %dma_start3A_8 : memref<1x125xi32, #tpu.memory_space<vmem>> -> memref<125xi32, #tpu.memory_space<vmem>>
    %dma_start3A_10 = arith.constant 0 : i32
    %dma_start3A_11 = arith.constant 0 : i32
    %dma_start3A_12 = tpu.memref_slice %arg2[%dma_start3A_10, %dma_start3A_11] : memref<10000x128xf32, #tpu.memory_space<hbm>> -> memref<10000x128xf32, #tpu.memory_space<hbm>>
    tpu.enqueue_indirect_dma source(%dma_start3A_12 : memref<10000x128xf32, #tpu.memory_space<hbm>>) target(%arg10 : memref<125x128xf32, #tpu.memory_space<vmem>>) offsets(%dma_start3A_9 : memref<125xi32, #tpu.memory_space<vmem>>) semaphore(%arg13 : memref<!tpu.dma_semaphore, #tpu.memory_space<semaphore_mem>>)
    %scan3A = arith.constant 0 : i32
    %scan3A_13 = arith.constant 20 : i32
    %scan3A_14 = arith.addi %scan3A, %scan3A_13 : i32
    %scan3A_15 = arith.constant 1 : i32
    scf.for %scan3A_43 = %scan3A to %scan3A_14 step %scan3A_15  : i32 {
      %mul3A_44 = arith.constant 1 : i32
      %mul3A_45 = arith.muli %scan3A_43, %mul3A_44 : i32
      %add3A_46 = arith.constant 0 : i32
      %add3A_47 = arith.addi %add3A_46, %mul3A_45 : i32
      %mul3A_48 = arith.constant 2 : i32
      %mul3A_49 = arith.muli %mul3A_48, %add3A_47 : i32
      %add3A_50 = arith.constant 1 : i32
      %add3A_51 = arith.addi %mul3A_49, %add3A_50 : i32
      %dma_start3A_52 = arith.constant 0 : i32
      %dma_start3A_53 = tpu.memref_slice %arg8[%add3A_51, %dma_start3A_52] : memref<40x125xi32, #tpu.memory_space<vmem>> -> memref<1x125xi32, #tpu.memory_space<vmem>>
      %dma_start3A_54 = tpu.memref_squeeze %dma_start3A_53 : memref<1x125xi32, #tpu.memory_space<vmem>> -> memref<125xi32, #tpu.memory_space<vmem>>
      %dma_start3A_55 = arith.constant 0 : i32
      %dma_start3A_56 = arith.constant 0 : i32
      %dma_start3A_57 = tpu.memref_slice %arg2[%dma_start3A_55, %dma_start3A_56] : memref<10000x128xf32, #tpu.memory_space<hbm>> -> memref<10000x128xf32, #tpu.memory_space<hbm>>
      tpu.enqueue_indirect_dma source(%dma_start3A_57 : memref<10000x128xf32, #tpu.memory_space<hbm>>) target(%arg11 : memref<125x128xf32, #tpu.memory_space<vmem>>) offsets(%dma_start3A_54 : memref<125xi32, #tpu.memory_space<vmem>>) semaphore(%arg14 : memref<!tpu.dma_semaphore, #tpu.memory_space<semaphore_mem>>)
      %dma_wait3A = arith.constant 0 : i32
      %dma_wait3A_58 = tpu.memref_slice %arg8[%mul3A_49, %dma_wait3A] : memref<40x125xi32, #tpu.memory_space<vmem>> -> memref<1x125xi32, #tpu.memory_space<vmem>>
      %dma_wait3A_59 = tpu.memref_squeeze %dma_wait3A_58 : memref<1x125xi32, #tpu.memory_space<vmem>> -> memref<125xi32, #tpu.memory_space<vmem>>
      %dma_wait3A_60 = arith.constant 0 : i32
      %dma_wait3A_61 = arith.constant 0 : i32
      %dma_wait3A_62 = tpu.memref_slice %arg2[%dma_wait3A_60, %dma_wait3A_61] : memref<10000x128xf32, #tpu.memory_space<hbm>> -> memref<10000x128xf32, #tpu.memory_space<hbm>>
      tpu.wait_indirect_dma semaphore(%arg13 : memref<!tpu.dma_semaphore, #tpu.memory_space<semaphore_mem>>) src(%dma_wait3A_62 : memref<10000x128xf32, #tpu.memory_space<hbm>>) dst(%arg10 : memref<125x128xf32, #tpu.memory_space<vmem>>)
      "tpu.region"() ({
        %run_scoped3A = tpu.sem_alloc : memref<!tpu.dma_semaphore, #tpu.memory_space<semaphore_mem>>
        %dma_start3A_79 = arith.constant 0 : i32
        %dma_start3A_80 = tpu.memref_slice %arg9[%mul3A_49, %dma_start3A_79] : memref<40x125xi32, #tpu.memory_space<vmem>> -> memref<1x125xi32, #tpu.memory_space<vmem>>
        %dma_start3A_81 = tpu.memref_squeeze %dma_start3A_80 : memref<1x125xi32, #tpu.memory_space<vmem>> -> memref<125xi32, #tpu.memory_space<vmem>>
        %dma_start3A_82 = arith.constant 0 : i32
        %dma_start3A_83 = arith.constant 0 : i32
        %dma_start3A_84 = tpu.memref_slice %arg12[%dma_start3A_82, %dma_start3A_83] : memref<10240x128xf32, #tpu.memory_space<vmem_shared>> -> memref<10240x128xf32, #tpu.memory_space<vmem_shared>>
        tpu.enqueue_indirect_dma source(%arg10 : memref<125x128xf32, #tpu.memory_space<vmem>>) target(%dma_start3A_84 : memref<10240x128xf32, #tpu.memory_space<vmem_shared>>) offsets(%dma_start3A_81 : memref<125xi32, #tpu.memory_space<vmem>>) semaphore(%run_scoped3A : memref<!tpu.dma_semaphore, #tpu.memory_space<semaphore_mem>>) {add = true}
        %dma_wait3A_85 = arith.constant 0 : i32
        %dma_wait3A_86 = tpu.memref_slice %arg9[%mul3A_49, %dma_wait3A_85] : memref<40x125xi32, #tpu.memory_space<vmem>> -> memref<1x125xi32, #tpu.memory_space<vmem>>
        %dma_wait3A_87 = tpu.memref_squeeze %dma_wait3A_86 : memref<1x125xi32, #tpu.memory_space<vmem>> -> memref<125xi32, #tpu.memory_space<vmem>>
        %dma_wait3A_88 = arith.constant 0 : i32
        %dma_wait3A_89 = arith.constant 0 : i32
        %dma_wait3A_90 = tpu.memref_slice %arg12[%dma_wait3A_88, %dma_wait3A_89] : memref<10240x128xf32, #tpu.memory_space<vmem_shared>> -> memref<10240x128xf32, #tpu.memory_space<vmem_shared>>
        tpu.wait_indirect_dma semaphore(%run_scoped3A : memref<!tpu.dma_semaphore, #tpu.memory_space<semaphore_mem>>) src(%arg10 : memref<125x128xf32, #tpu.memory_space<vmem>>) dst(%dma_wait3A_90 : memref<10240x128xf32, #tpu.memory_space<vmem_shared>>)
        tpu.yield
      }) : () -> ()
      %add3A_63 = arith.constant 2 : i32
      %add3A_64 = arith.addi %mul3A_49, %add3A_63 : i32
      %lt3A = arith.constant 40 : i32
      %lt3A_65 = arith.cmpi slt, %add3A_64, %lt3A : i32
      %convert_element_type3A_66 = arith.extui %lt3A_65 : i1 to i32
      %cond3A_67 = arith.constant 0 : i32
      %cond3A_68 = arith.cmpi ne, %convert_element_type3A_66, %cond3A_67 : i32
      scf.if %cond3A_68 {
        %add3A_79 = arith.constant 2 : i32
        %add3A_80 = arith.addi %mul3A_49, %add3A_79 : i32
        %dma_start3A_81 = arith.constant 0 : i32
        %dma_start3A_82 = tpu.memref_slice %arg8[%add3A_80, %dma_start3A_81] : memref<40x125xi32, #tpu.memory_space<vmem>> -> memref<1x125xi32, #tpu.memory_space<vmem>>
        %dma_start3A_83 = tpu.memref_squeeze %dma_start3A_82 : memref<1x125xi32, #tpu.memory_space<vmem>> -> memref<125xi32, #tpu.memory_space<vmem>>
        %dma_start3A_84 = arith.constant 0 : i32
        %dma_start3A_85 = arith.constant 0 : i32
        %dma_start3A_86 = tpu.memref_slice %arg2[%dma_start3A_84, %dma_start3A_85] : memref<10000x128xf32, #tpu.memory_space<hbm>> -> memref<10000x128xf32, #tpu.memory_space<hbm>>
        tpu.enqueue_indirect_dma source(%dma_start3A_86 : memref<10000x128xf32, #tpu.memory_space<hbm>>) target(%arg10 : memref<125x128xf32, #tpu.memory_space<vmem>>) offsets(%dma_start3A_83 : memref<125xi32, #tpu.memory_space<vmem>>) semaphore(%arg13 : memref<!tpu.dma_semaphore, #tpu.memory_space<semaphore_mem>>)
      } else {
      }
      %add3A_69 = arith.constant 1 : i32
      %add3A_70 = arith.addi %mul3A_49, %add3A_69 : i32
      %dma_wait3A_71 = arith.constant 0 : i32
      %dma_wait3A_72 = tpu.memref_slice %arg8[%add3A_70, %dma_wait3A_71] : memref<40x125xi32, #tpu.memory_space<vmem>> -> memref<1x125xi32, #tpu.memory_space<vmem>>
      %dma_wait3A_73 = tpu.memref_squeeze %dma_wait3A_72 : memref<1x125xi32, #tpu.memory_space<vmem>> -> memref<125xi32, #tpu.memory_space<vmem>>
      %dma_wait3A_74 = arith.constant 0 : i32
      %dma_wait3A_75 = arith.constant 0 : i32
      %dma_wait3A_76 = tpu.memref_slice %arg2[%dma_wait3A_74, %dma_wait3A_75] : memref<10000x128xf32, #tpu.memory_space<hbm>> -> memref<10000x128xf32, #tpu.memory_space<hbm>>
      tpu.wait_indirect_dma semaphore(%arg14 : memref<!tpu.dma_semaphore, #tpu.memory_space<semaphore_mem>>) src(%dma_wait3A_76 : memref<10000x128xf32, #tpu.memory_space<hbm>>) dst(%arg11 : memref<125x128xf32, #tpu.memory_space<vmem>>)
      %add3A_77 = arith.constant 1 : i32
      %add3A_78 = arith.addi %mul3A_49, %add3A_77 : i32
      "tpu.region"() ({
        %run_scoped3A = tpu.sem_alloc : memref<!tpu.dma_semaphore, #tpu.memory_space<semaphore_mem>>
        %dma_start3A_79 = arith.constant 0 : i32
        %dma_start3A_80 = tpu.memref_slice %arg9[%add3A_78, %dma_start3A_79] : memref<40x125xi32, #tpu.memory_space<vmem>> -> memref<1x125xi32, #tpu.memory_space<vmem>>
        %dma_start3A_81 = tpu.memref_squeeze %dma_start3A_80 : memref<1x125xi32, #tpu.memory_space<vmem>> -> memref<125xi32, #tpu.memory_space<vmem>>
        %dma_start3A_82 = arith.constant 0 : i32
        %dma_start3A_83 = arith.constant 0 : i32
        %dma_start3A_84 = tpu.memref_slice %arg12[%dma_start3A_82, %dma_start3A_83] : memref<10240x128xf32, #tpu.memory_space<vmem_shared>> -> memref<10240x128xf32, #tpu.memory_space<vmem_shared>>
        tpu.enqueue_indirect_dma source(%arg11 : memref<125x128xf32, #tpu.memory_space<vmem>>) target(%dma_start3A_84 : memref<10240x128xf32, #tpu.memory_space<vmem_shared>>) offsets(%dma_start3A_81 : memref<125xi32, #tpu.memory_space<vmem>>) semaphore(%run_scoped3A : memref<!tpu.dma_semaphore, #tpu.memory_space<semaphore_mem>>) {add = true}
        %dma_wait3A_85 = arith.constant 0 : i32
        %dma_wait3A_86 = tpu.memref_slice %arg9[%add3A_78, %dma_wait3A_85] : memref<40x125xi32, #tpu.memory_space<vmem>> -> memref<1x125xi32, #tpu.memory_space<vmem>>
        %dma_wait3A_87 = tpu.memref_squeeze %dma_wait3A_86 : memref<1x125xi32, #tpu.memory_space<vmem>> -> memref<125xi32, #tpu.memory_space<vmem>>
        %dma_wait3A_88 = arith.constant 0 : i32
        %dma_wait3A_89 = arith.constant 0 : i32
        %dma_wait3A_90 = tpu.memref_slice %arg12[%dma_wait3A_88, %dma_wait3A_89] : memref<10240x128xf32, #tpu.memory_space<vmem_shared>> -> memref<10240x128xf32, #tpu.memory_space<vmem_shared>>
        tpu.wait_indirect_dma semaphore(%run_scoped3A : memref<!tpu.dma_semaphore, #tpu.memory_space<semaphore_mem>>) src(%arg11 : memref<125x128xf32, #tpu.memory_space<vmem>>) dst(%dma_wait3A_90 : memref<10240x128xf32, #tpu.memory_space<vmem_shared>>)
        tpu.yield
      }) : () -> ()
    }
    %scan3A_16 = arith.constant 20 : i32
    %mul3A_17 = arith.constant 80 : i32
    %mul3A_18 = arith.muli %add3A, %mul3A_17 : i32
    %add3A_19 = arith.constant 40 : i32
    %add3A_20 = arith.addi %mul3A_18, %add3A_19 : i32
    "tpu.region"() ({
      %run_scoped3A = tpu.sem_alloc : memref<!tpu.dma_semaphore, #tpu.memory_space<semaphore_mem>>
      %dma_start3A_43 = arith.constant 0 : i32
      %dma_start3A_44 = tpu.memref_slice %arg3[%add3A_20, %dma_start3A_43] : memref<2560x125xi32, #tpu.memory_space<hbm>> -> memref<40x125xi32, #tpu.memory_space<hbm>>
      %dma_start3A_45 = arith.constant 0 : i32
      %dma_start3A_46 = tpu.memref_slice %arg3[%add3A_20, %dma_start3A_45] : memref<2560x125xi32, #tpu.memory_space<hbm>> -> memref<40x125xi32, #tpu.memory_space<hbm>>
      tpu.enqueue_dma source(%dma_start3A_46 : memref<40x125xi32, #tpu.memory_space<hbm>>) target(%arg8 : memref<40x125xi32, #tpu.memory_space<vmem>>) target_semaphore(%run_scoped3A : memref<!tpu.dma_semaphore, #tpu.memory_space<semaphore_mem>>)
      %dma_wait3A = arith.constant 0 : i32
      %dma_wait3A_47 = tpu.memref_slice %arg3[%add3A_20, %dma_wait3A] : memref<2560x125xi32, #tpu.memory_space<hbm>> -> memref<40x125xi32, #tpu.memory_space<hbm>>
      %dma_wait3A_48 = arith.constant 0 : i32
      %dma_wait3A_49 = tpu.memref_slice %arg3[%add3A_20, %dma_wait3A_48] : memref<2560x125xi32, #tpu.memory_space<hbm>> -> memref<40x125xi32, #tpu.memory_space<hbm>>
      tpu.wait_dma2 semaphore(%run_scoped3A : memref<!tpu.dma_semaphore, #tpu.memory_space<semaphore_mem>>) src(%dma_wait3A_49 : memref<40x125xi32, #tpu.memory_space<hbm>>) dst(%arg8 : memref<40x125xi32, #tpu.memory_space<vmem>>)
      tpu.yield
    }) : () -> ()
    "tpu.region"() ({
      %run_scoped3A = tpu.sem_alloc : memref<!tpu.dma_semaphore, #tpu.memory_space<semaphore_mem>>
      %dma_start3A_43 = arith.constant 0 : i32
      %dma_start3A_44 = tpu.memref_slice %arg4[%add3A_20, %dma_start3A_43] : memref<2560x125xi32, #tpu.memory_space<hbm>> -> memref<40x125xi32, #tpu.memory_space<hbm>>
      %dma_start3A_45 = arith.constant 0 : i32
      %dma_start3A_46 = tpu.memref_slice %arg4[%add3A_20, %dma_start3A_45] : memref<2560x125xi32, #tpu.memory_space<hbm>> -> memref<40x125xi32, #tpu.memory_space<hbm>>
      tpu.enqueue_dma source(%dma_start3A_46 : memref<40x125xi32, #tpu.memory_space<hbm>>) target(%arg9 : memref<40x125xi32, #tpu.memory_space<vmem>>) target_semaphore(%run_scoped3A : memref<!tpu.dma_semaphore, #tpu.memory_space<semaphore_mem>>)
      %dma_wait3A = arith.constant 0 : i32
      %dma_wait3A_47 = tpu.memref_slice %arg4[%add3A_20, %dma_wait3A] : memref<2560x125xi32, #tpu.memory_space<hbm>> -> memref<40x125xi32, #tpu.memory_space<hbm>>
      %dma_wait3A_48 = arith.constant 0 : i32
      %dma_wait3A_49 = tpu.memref_slice %arg4[%add3A_20, %dma_wait3A_48] : memref<2560x125xi32, #tpu.memory_space<hbm>> -> memref<40x125xi32, #tpu.memory_space<hbm>>
      tpu.wait_dma2 semaphore(%run_scoped3A : memref<!tpu.dma_semaphore, #tpu.memory_space<semaphore_mem>>) src(%dma_wait3A_49 : memref<40x125xi32, #tpu.memory_space<hbm>>) dst(%arg9 : memref<40x125xi32, #tpu.memory_space<vmem>>)
      tpu.yield
    }) : () -> ()
    %dma_start3A_21 = arith.constant 0 : i32
    %dma_start3A_22 = arith.constant 0 : i32
    %dma_start3A_23 = tpu.memref_slice %arg8[%dma_start3A_21, %dma_start3A_22] : memref<40x125xi32, #tpu.memory_space<vmem>> -> memref<1x125xi32, #tpu.memory_space<vmem>>
    %dma_start3A_24 = tpu.memref_squeeze %dma_start3A_23 : memref<1x125xi32, #tpu.memory_space<vmem>> -> memref<125xi32, #tpu.memory_space<vmem>>
    %dma_start3A_25 = arith.constant 0 : i32
    %dma_start3A_26 = arith.constant 0 : i32
    %dma_start3A_27 = tpu.memref_slice %arg2[%dma_start3A_25, %dma_start3A_26] : memref<10000x128xf32, #tpu.memory_space<hbm>> -> memref<10000x128xf32, #tpu.memory_space<hbm>>
    tpu.enqueue_indirect_dma source(%dma_start3A_27 : memref<10000x128xf32, #tpu.memory_space<hbm>>) target(%arg10 : memref<125x128xf32, #tpu.memory_space<vmem>>) offsets(%dma_start3A_24 : memref<125xi32, #tpu.memory_space<vmem>>) semaphore(%arg13 : memref<!tpu.dma_semaphore, #tpu.memory_space<semaphore_mem>>)
    %scan3A_28 = arith.constant 0 : i32
    %scan3A_29 = arith.constant 20 : i32
    %scan3A_30 = arith.addi %scan3A_28, %scan3A_29 : i32
    %scan3A_31 = arith.constant 1 : i32
    scf.for %scan3A_43 = %scan3A_28 to %scan3A_30 step %scan3A_31  : i32 {
      %mul3A_44 = arith.constant 1 : i32
      %mul3A_45 = arith.muli %scan3A_43, %mul3A_44 : i32
      %add3A_46 = arith.constant 0 : i32
      %add3A_47 = arith.addi %add3A_46, %mul3A_45 : i32
      %mul3A_48 = arith.constant 2 : i32
      %mul3A_49 = arith.muli %mul3A_48, %add3A_47 : i32
      %add3A_50 = arith.constant 1 : i32
      %add3A_51 = arith.addi %mul3A_49, %add3A_50 : i32
      %dma_start3A_52 = arith.constant 0 : i32
      %dma_start3A_53 = tpu.memref_slice %arg8[%add3A_51, %dma_start3A_52] : memref<40x125xi32, #tpu.memory_space<vmem>> -> memref<1x125xi32, #tpu.memory_space<vmem>>
      %dma_start3A_54 = tpu.memref_squeeze %dma_start3A_53 : memref<1x125xi32, #tpu.memory_space<vmem>> -> memref<125xi32, #tpu.memory_space<vmem>>
      %dma_start3A_55 = arith.constant 0 : i32
      %dma_start3A_56 = arith.constant 0 : i32
      %dma_start3A_57 = tpu.memref_slice %arg2[%dma_start3A_55, %dma_start3A_56] : memref<10000x128xf32, #tpu.memory_space<hbm>> -> memref<10000x128xf32, #tpu.memory_space<hbm>>
      tpu.enqueue_indirect_dma source(%dma_start3A_57 : memref<10000x128xf32, #tpu.memory_space<hbm>>) target(%arg11 : memref<125x128xf32, #tpu.memory_space<vmem>>) offsets(%dma_start3A_54 : memref<125xi32, #tpu.memory_space<vmem>>) semaphore(%arg14 : memref<!tpu.dma_semaphore, #tpu.memory_space<semaphore_mem>>)
      %dma_wait3A = arith.constant 0 : i32
      %dma_wait3A_58 = tpu.memref_slice %arg8[%mul3A_49, %dma_wait3A] : memref<40x125xi32, #tpu.memory_space<vmem>> -> memref<1x125xi32, #tpu.memory_space<vmem>>
      %dma_wait3A_59 = tpu.memref_squeeze %dma_wait3A_58 : memref<1x125xi32, #tpu.memory_space<vmem>> -> memref<125xi32, #tpu.memory_space<vmem>>
      %dma_wait3A_60 = arith.constant 0 : i32
      %dma_wait3A_61 = arith.constant 0 : i32
      %dma_wait3A_62 = tpu.memref_slice %arg2[%dma_wait3A_60, %dma_wait3A_61] : memref<10000x128xf32, #tpu.memory_space<hbm>> -> memref<10000x128xf32, #tpu.memory_space<hbm>>
      tpu.wait_indirect_dma semaphore(%arg13 : memref<!tpu.dma_semaphore, #tpu.memory_space<semaphore_mem>>) src(%dma_wait3A_62 : memref<10000x128xf32, #tpu.memory_space<hbm>>) dst(%arg10 : memref<125x128xf32, #tpu.memory_space<vmem>>)
      "tpu.region"() ({
        %run_scoped3A = tpu.sem_alloc : memref<!tpu.dma_semaphore, #tpu.memory_space<semaphore_mem>>
        %dma_start3A_79 = arith.constant 0 : i32
        %dma_start3A_80 = tpu.memref_slice %arg9[%mul3A_49, %dma_start3A_79] : memref<40x125xi32, #tpu.memory_space<vmem>> -> memref<1x125xi32, #tpu.memory_space<vmem>>
        %dma_start3A_81 = tpu.memref_squeeze %dma_start3A_80 : memref<1x125xi32, #tpu.memory_space<vmem>> -> memref<125xi32, #tpu.memory_space<vmem>>
        %dma_start3A_82 = arith.constant 0 : i32
        %dma_start3A_83 = arith.constant 0 : i32
        %dma_start3A_84 = tpu.memref_slice %arg12[%dma_start3A_82, %dma_start3A_83] : memref<10240x128xf32, #tpu.memory_space<vmem_shared>> -> memref<10240x128xf32, #tpu.memory_space<vmem_shared>>
        tpu.enqueue_indirect_dma source(%arg10 : memref<125x128xf32, #tpu.memory_space<vmem>>) target(%dma_start3A_84 : memref<10240x128xf32, #tpu.memory_space<vmem_shared>>) offsets(%dma_start3A_81 : memref<125xi32, #tpu.memory_space<vmem>>) semaphore(%run_scoped3A : memref<!tpu.dma_semaphore, #tpu.memory_space<semaphore_mem>>) {add = true}
        %dma_wait3A_85 = arith.constant 0 : i32
        %dma_wait3A_86 = tpu.memref_slice %arg9[%mul3A_49, %dma_wait3A_85] : memref<40x125xi32, #tpu.memory_space<vmem>> -> memref<1x125xi32, #tpu.memory_space<vmem>>
        %dma_wait3A_87 = tpu.memref_squeeze %dma_wait3A_86 : memref<1x125xi32, #tpu.memory_space<vmem>> -> memref<125xi32, #tpu.memory_space<vmem>>
        %dma_wait3A_88 = arith.constant 0 : i32
        %dma_wait3A_89 = arith.constant 0 : i32
        %dma_wait3A_90 = tpu.memref_slice %arg12[%dma_wait3A_88, %dma_wait3A_89] : memref<10240x128xf32, #tpu.memory_space<vmem_shared>> -> memref<10240x128xf32, #tpu.memory_space<vmem_shared>>
        tpu.wait_indirect_dma semaphore(%run_scoped3A : memref<!tpu.dma_semaphore, #tpu.memory_space<semaphore_mem>>) src(%arg10 : memref<125x128xf32, #tpu.memory_space<vmem>>) dst(%dma_wait3A_90 : memref<10240x128xf32, #tpu.memory_space<vmem_shared>>)
        tpu.yield
      }) : () -> ()
      %add3A_63 = arith.constant 2 : i32
      %add3A_64 = arith.addi %mul3A_49, %add3A_63 : i32
      %lt3A = arith.constant 40 : i32
      %lt3A_65 = arith.cmpi slt, %add3A_64, %lt3A : i32
      %convert_element_type3A_66 = arith.extui %lt3A_65 : i1 to i32
      %cond3A_67 = arith.constant 0 : i32
      %cond3A_68 = arith.cmpi ne, %convert_element_type3A_66, %cond3A_67 : i32
      scf.if %cond3A_68 {
        %add3A_79 = arith.constant 2 : i32
        %add3A_80 = arith.addi %mul3A_49, %add3A_79 : i32
        %dma_start3A_81 = arith.constant 0 : i32
        %dma_start3A_82 = tpu.memref_slice %arg8[%add3A_80, %dma_start3A_81] : memref<40x125xi32, #tpu.memory_space<vmem>> -> memref<1x125xi32, #tpu.memory_space<vmem>>
        %dma_start3A_83 = tpu.memref_squeeze %dma_start3A_82 : memref<1x125xi32, #tpu.memory_space<vmem>> -> memref<125xi32, #tpu.memory_space<vmem>>
        %dma_start3A_84 = arith.constant 0 : i32
        %dma_start3A_85 = arith.constant 0 : i32
        %dma_start3A_86 = tpu.memref_slice %arg2[%dma_start3A_84, %dma_start3A_85] : memref<10000x128xf32, #tpu.memory_space<hbm>> -> memref<10000x128xf32, #tpu.memory_space<hbm>>
        tpu.enqueue_indirect_dma source(%dma_start3A_86 : memref<10000x128xf32, #tpu.memory_space<hbm>>) target(%arg10 : memref<125x128xf32, #tpu.memory_space<vmem>>) offsets(%dma_start3A_83 : memref<125xi32, #tpu.memory_space<vmem>>) semaphore(%arg13 : memref<!tpu.dma_semaphore, #tpu.memory_space<semaphore_mem>>)
      } else {
      }
      %add3A_69 = arith.constant 1 : i32
      %add3A_70 = arith.addi %mul3A_49, %add3A_69 : i32
      %dma_wait3A_71 = arith.constant 0 : i32
      %dma_wait3A_72 = tpu.memref_slice %arg8[%add3A_70, %dma_wait3A_71] : memref<40x125xi32, #tpu.memory_space<vmem>> -> memref<1x125xi32, #tpu.memory_space<vmem>>
      %dma_wait3A_73 = tpu.memref_squeeze %dma_wait3A_72 : memref<1x125xi32, #tpu.memory_space<vmem>> -> memref<125xi32, #tpu.memory_space<vmem>>
      %dma_wait3A_74 = arith.constant 0 : i32
      %dma_wait3A_75 = arith.constant 0 : i32
      %dma_wait3A_76 = tpu.memref_slice %arg2[%dma_wait3A_74, %dma_wait3A_75] : memref<10000x128xf32, #tpu.memory_space<hbm>> -> memref<10000x128xf32, #tpu.memory_space<hbm>>
      tpu.wait_indirect_dma semaphore(%arg14 : memref<!tpu.dma_semaphore, #tpu.memory_space<semaphore_mem>>) src(%dma_wait3A_76 : memref<10000x128xf32, #tpu.memory_space<hbm>>) dst(%arg11 : memref<125x128xf32, #tpu.memory_space<vmem>>)
      %add3A_77 = arith.constant 1 : i32
      %add3A_78 = arith.addi %mul3A_49, %add3A_77 : i32
      "tpu.region"() ({
        %run_scoped3A = tpu.sem_alloc : memref<!tpu.dma_semaphore, #tpu.memory_space<semaphore_mem>>
        %dma_start3A_79 = arith.constant 0 : i32
        %dma_start3A_80 = tpu.memref_slice %arg9[%add3A_78, %dma_start3A_79] : memref<40x125xi32, #tpu.memory_space<vmem>> -> memref<1x125xi32, #tpu.memory_space<vmem>>
        %dma_start3A_81 = tpu.memref_squeeze %dma_start3A_80 : memref<1x125xi32, #tpu.memory_space<vmem>> -> memref<125xi32, #tpu.memory_space<vmem>>
        %dma_start3A_82 = arith.constant 0 : i32
        %dma_start3A_83 = arith.constant 0 : i32
        %dma_start3A_84 = tpu.memref_slice %arg12[%dma_start3A_82, %dma_start3A_83] : memref<10240x128xf32, #tpu.memory_space<vmem_shared>> -> memref<10240x128xf32, #tpu.memory_space<vmem_shared>>
        tpu.enqueue_indirect_dma source(%arg11 : memref<125x128xf32, #tpu.memory_space<vmem>>) target(%dma_start3A_84 : memref<10240x128xf32, #tpu.memory_space<vmem_shared>>) offsets(%dma_start3A_81 : memref<125xi32, #tpu.memory_space<vmem>>) semaphore(%run_scoped3A : memref<!tpu.dma_semaphore, #tpu.memory_space<semaphore_mem>>) {add = true}
        %dma_wait3A_85 = arith.constant 0 : i32
        %dma_wait3A_86 = tpu.memref_slice %arg9[%add3A_78, %dma_wait3A_85] : memref<40x125xi32, #tpu.memory_space<vmem>> -> memref<1x125xi32, #tpu.memory_space<vmem>>
        %dma_wait3A_87 = tpu.memref_squeeze %dma_wait3A_86 : memref<1x125xi32, #tpu.memory_space<vmem>> -> memref<125xi32, #tpu.memory_space<vmem>>
        %dma_wait3A_88 = arith.constant 0 : i32
        %dma_wait3A_89 = arith.constant 0 : i32
        %dma_wait3A_90 = tpu.memref_slice %arg12[%dma_wait3A_88, %dma_wait3A_89] : memref<10240x128xf32, #tpu.memory_space<vmem_shared>> -> memref<10240x128xf32, #tpu.memory_space<vmem_shared>>
        tpu.wait_indirect_dma semaphore(%run_scoped3A : memref<!tpu.dma_semaphore, #tpu.memory_space<semaphore_mem>>) src(%arg11 : memref<125x128xf32, #tpu.memory_space<vmem>>) dst(%dma_wait3A_90 : memref<10240x128xf32, #tpu.memory_space<vmem_shared>>)
        tpu.yield
      }) : () -> ()
    }
    %scan3A_32 = arith.constant 20 : i32
    %barrier3A_33 = arith.constant 0 : index
    tpu.barrier barrier_id(%barrier3A_33)
    %mul3A_34 = arith.constant 640 : i32
    %mul3A_35 = arith.muli %arg1, %mul3A_34 : i32
    %eq3A = arith.constant 0 : i32
    %eq3A_36 = arith.cmpi eq, %arg0, %eq3A : i32
    %convert_element_type3A = arith.extui %eq3A_36 : i1 to i32
    %cond3A = arith.constant 0 : i32
    %cond3A_37 = arith.cmpi ne, %convert_element_type3A, %cond3A : i32
    scf.if %cond3A_37 {
      "tpu.region"() ({
        %run_scoped3A = tpu.sem_alloc : memref<!tpu.dma_semaphore, #tpu.memory_space<semaphore_mem>>
        %dma_start3A_43 = arith.constant 0 : i32
        %dma_start3A_44 = tpu.memref_slice %arg6[%mul3A_35, %dma_start3A_43] : memref<10240x128xf32, #tpu.memory_space<hbm>> -> memref<640x128xf32, #tpu.memory_space<hbm>>
        %dma_start3A_45 = arith.constant 0 : i32
        %dma_start3A_46 = tpu.memref_slice %arg12[%mul3A_35, %dma_start3A_45] : memref<10240x128xf32, #tpu.memory_space<vmem_shared>> -> memref<640x128xf32, #tpu.memory_space<vmem_shared>>
        tpu.enqueue_dma source(%dma_start3A_46 : memref<640x128xf32, #tpu.memory_space<vmem_shared>>) target(%dma_start3A_44 : memref<640x128xf32, #tpu.memory_space<hbm>>) target_semaphore(%run_scoped3A : memref<!tpu.dma_semaphore, #tpu.memory_space<semaphore_mem>>)
        %dma_wait3A = arith.constant 0 : i32
        %dma_wait3A_47 = tpu.memref_slice %arg6[%mul3A_35, %dma_wait3A] : memref<10240x128xf32, #tpu.memory_space<hbm>> -> memref<640x128xf32, #tpu.memory_space<hbm>>
        %dma_wait3A_48 = arith.constant 0 : i32
        %dma_wait3A_49 = tpu.memref_slice %arg12[%mul3A_35, %dma_wait3A_48] : memref<10240x128xf32, #tpu.memory_space<vmem_shared>> -> memref<640x128xf32, #tpu.memory_space<vmem_shared>>
        tpu.wait_dma2 semaphore(%run_scoped3A : memref<!tpu.dma_semaphore, #tpu.memory_space<semaphore_mem>>) src(%dma_wait3A_49 : memref<640x128xf32, #tpu.memory_space<vmem_shared>>) dst(%dma_wait3A_47 : memref<640x128xf32, #tpu.memory_space<hbm>>)
        tpu.yield
      }) : () -> ()
    } else {
    }
    %eq3A_38 = arith.constant 1 : i32
    %eq3A_39 = arith.cmpi eq, %arg0, %eq3A_38 : i32
    %convert_element_type3A_40 = arith.extui %eq3A_39 : i1 to i32
    %cond3A_41 = arith.constant 0 : i32
    %cond3A_42 = arith.cmpi ne, %convert_element_type3A_40, %cond3A_41 : i32
    scf.if %cond3A_42 {
      "tpu.region"() ({
        %run_scoped3A = tpu.sem_alloc : memref<!tpu.dma_semaphore, #tpu.memory_space<semaphore_mem>>
        %dma_start3A_43 = arith.constant 0 : i32
        %dma_start3A_44 = tpu.memref_slice %arg7[%mul3A_35, %dma_start3A_43] : memref<10240x128xf32, #tpu.memory_space<hbm>> -> memref<640x128xf32, #tpu.memory_space<hbm>>
        %dma_start3A_45 = arith.constant 0 : i32
        %dma_start3A_46 = tpu.memref_slice %arg12[%mul3A_35, %dma_start3A_45] : memref<10240x128xf32, #tpu.memory_space<vmem_shared>> -> memref<640x128xf32, #tpu.memory_space<vmem_shared>>
        tpu.enqueue_dma source(%dma_start3A_46 : memref<640x128xf32, #tpu.memory_space<vmem_shared>>) target(%dma_start3A_44 : memref<640x128xf32, #tpu.memory_space<hbm>>) target_semaphore(%run_scoped3A : memref<!tpu.dma_semaphore, #tpu.memory_space<semaphore_mem>>)
        %dma_wait3A = arith.constant 0 : i32
        %dma_wait3A_47 = tpu.memref_slice %arg7[%mul3A_35, %dma_wait3A] : memref<10240x128xf32, #tpu.memory_space<hbm>> -> memref<640x128xf32, #tpu.memory_space<hbm>>
        %dma_wait3A_48 = arith.constant 0 : i32
        %dma_wait3A_49 = tpu.memref_slice %arg12[%mul3A_35, %dma_wait3A_48] : memref<10240x128xf32, #tpu.memory_space<vmem_shared>> -> memref<640x128xf32, #tpu.memory_space<vmem_shared>>
        tpu.wait_dma2 semaphore(%run_scoped3A : memref<!tpu.dma_semaphore, #tpu.memory_space<semaphore_mem>>) src(%dma_wait3A_49 : memref<640x128xf32, #tpu.memory_space<vmem_shared>>) dst(%dma_wait3A_47 : memref<640x128xf32, #tpu.memory_space<hbm>>)
        tpu.yield
      }) : () -> ()
    } else {
    }
    return
  }
}

module attributes {stable_mosaic.version = 14 : i64} {
  func.func @_stage_matmul(%arg0: memref<10000x128xf32, #tpu.memory_space<vmem>>, %arg1: memref<128x128xf32, #tpu.memory_space<vmem>>, %arg2: memref<10000x128xf32, #tpu.memory_space<vmem>>) attributes {dimension_semantics = [], scalar_prefetch = 0 : i64, scratch_operands = 0 : i64, tpu.core_type = #tpu.core_type<tc>} {
    %get3A = arith.constant 0 : index
    %get3A_0 = arith.constant 0 : index
    %get3A_1 = vector.load %arg0[%get3A, %get3A_0] : memref<10000x128xf32, #tpu.memory_space<vmem>>, vector<10000x128xf32>
    %get3A_2 = arith.constant 0 : index
    %get3A_3 = arith.constant 0 : index
    %get3A_4 = vector.load %arg1[%get3A_2, %get3A_3] : memref<128x128xf32, #tpu.memory_space<vmem>>, vector<128x128xf32>
    %dot_general3A = arith.constant dense<0.000000e+00> : vector<10000x128xf32>
    %dot_general3A_5 = tpu.matmul %get3A_1, %get3A_4, %dot_general3A {dimension_numbers = #tpu.dot_dimension_numbers<[1], [0], [0], [1], [0, 0, 1, 1], [], []>, transpose_lhs_hint = false} : vector<10000x128xf32>, vector<128x128xf32>, vector<10000x128xf32> -> vector<10000x128xf32>
    %swap3A = arith.constant 0 : index
    %swap3A_6 = arith.constant 0 : index
    %swap3A_7 = vector.load %arg2[%swap3A, %swap3A_6] : memref<10000x128xf32, #tpu.memory_space<vmem>>, vector<10000x128xf32>
    tpu.vector_store %arg2[%swap3A, %swap3A_6], %dot_general3A_5 {strides = array<i32>} : memref<10000x128xf32, #tpu.memory_space<vmem>>, vector<10000x128xf32>,
    return
  }
}

module attributes {stable_mosaic.version = 14 : i64} {
  func.func @_stage_scale0(%arg0: memref<10000x1xf32, #tpu.memory_space<vmem>>, %arg1: memref<10000x1xf32, #tpu.memory_space<vmem>>, %arg2: memref<10000x128xf32, #tpu.memory_space<vmem>>, %arg3: memref<10000x128xf32, #tpu.memory_space<vmem>>, %arg4: memref<10000x1xf32, #tpu.memory_space<vmem>>, %arg5: memref<10000x1xf32, #tpu.memory_space<vmem>>) attributes {dimension_semantics = [], scalar_prefetch = 0 : i64, scratch_operands = 0 : i64, tpu.core_type = #tpu.core_type<tc>} {
    %get3A = arith.constant 0 : index
    %get3A_0 = arith.constant 0 : index
    %get3A_1 = vector.load %arg0[%get3A, %get3A_0] : memref<10000x1xf32, #tpu.memory_space<vmem>>, vector<10000x1xf32>
    %get3A_2 = arith.constant 0 : index
    %get3A_3 = arith.constant 0 : index
    %get3A_4 = vector.load %arg1[%get3A_2, %get3A_3] : memref<10000x1xf32, #tpu.memory_space<vmem>>, vector<10000x1xf32>
    %add3A = arith.addf %get3A_1, %get3A_4 : vector<10000x1xf32>
    %add3A_5 = arith.constant 1.000000e+00 : f32
    %add3A_6 = vector.broadcast %add3A_5 : f32 to vector<10000x1xf32>
    %add3A_7 = arith.addf %add3A, %add3A_6 : vector<10000x1xf32>
    %rsqrt3A = math.rsqrt %add3A_7 : vector<10000x1xf32>
    %swap3A = arith.constant 0 : index
    %swap3A_8 = arith.constant 0 : index
    %swap3A_9 = vector.load %arg4[%swap3A, %swap3A_8] : memref<10000x1xf32, #tpu.memory_space<vmem>>, vector<10000x1xf32>
    tpu.vector_store %arg4[%swap3A, %swap3A_8], %rsqrt3A {strides = array<i32>} : memref<10000x1xf32, #tpu.memory_space<vmem>>, vector<10000x1xf32>,
    %div3A = arith.constant 1.000000e+00 : f32
    %div3A_10 = vector.broadcast %div3A : f32 to vector<10000x1xf32>
    %div3A_11 = arith.divf %div3A_10, %add3A_7 : vector<10000x1xf32>
    %swap3A_12 = arith.constant 0 : index
    %swap3A_13 = arith.constant 0 : index
    %swap3A_14 = vector.load %arg5[%swap3A_12, %swap3A_13] : memref<10000x1xf32, #tpu.memory_space<vmem>>, vector<10000x1xf32>
    tpu.vector_store %arg5[%swap3A_12, %swap3A_13], %div3A_11 {strides = array<i32>} : memref<10000x1xf32, #tpu.memory_space<vmem>>, vector<10000x1xf32>,
    %get3A_15 = arith.constant 0 : index
    %get3A_16 = arith.constant 0 : index
    %get3A_17 = vector.load %arg2[%get3A_15, %get3A_16] : memref<10000x128xf32, #tpu.memory_space<vmem>>, vector<10000x128xf32>
    %mul3A = vector.broadcast %rsqrt3A : vector<10000x1xf32> to vector<10000x128xf32>
    %mul3A_18 = arith.mulf %get3A_17, %mul3A : vector<10000x128xf32>
    %swap3A_19 = arith.constant 0 : index
    %swap3A_20 = arith.constant 0 : index
    %swap3A_21 = vector.load %arg3[%swap3A_19, %swap3A_20] : memref<10000x128xf32, #tpu.memory_space<vmem>>, vector<10000x128xf32>
    tpu.vector_store %arg3[%swap3A_19, %swap3A_20], %mul3A_18 {strides = array<i32>} : memref<10000x128xf32, #tpu.memory_space<vmem>>, vector<10000x128xf32>,
    return
  }
}

module attributes {stable_mosaic.version = 14 : i64} {
  func.func @_stage_mid(%arg0: memref<10240x128xf32, #tpu.memory_space<vmem>>, %arg1: memref<10240x128xf32, #tpu.memory_space<vmem>>, %arg2: memref<10000x128xf32, #tpu.memory_space<vmem>>, %arg3: memref<10000x1xf32, #tpu.memory_space<vmem>>, %arg4: memref<10000x128xf32, #tpu.memory_space<vmem>>) attributes {dimension_semantics = [], scalar_prefetch = 0 : i64, scratch_operands = 0 : i64, tpu.core_type = #tpu.core_type<tc>} {
    %get3A = arith.constant 0 : index
    %get3A_0 = arith.constant 0 : index
    %get3A_1 = vector.load %arg0[%get3A, %get3A_0] : memref<10240x128xf32, #tpu.memory_space<vmem>>, vector<10000x128xf32>
    %get3A_2 = arith.constant 0 : index
    %get3A_3 = arith.constant 0 : index
    %get3A_4 = vector.load %arg1[%get3A_2, %get3A_3] : memref<10240x128xf32, #tpu.memory_space<vmem>>, vector<10000x128xf32>
    %add3A = arith.addf %get3A_1, %get3A_4 : vector<10000x128xf32>
    %get3A_5 = arith.constant 0 : index
    %get3A_6 = arith.constant 0 : index
    %get3A_7 = vector.load %arg2[%get3A_5, %get3A_6] : memref<10000x128xf32, #tpu.memory_space<vmem>>, vector<10000x128xf32>
    %add3A_8 = arith.addf %add3A, %get3A_7 : vector<10000x128xf32>
    %get3A_9 = arith.constant 0 : index
    %get3A_10 = arith.constant 0 : index
    %get3A_11 = vector.load %arg3[%get3A_9, %get3A_10] : memref<10000x1xf32, #tpu.memory_space<vmem>>, vector<10000x1xf32>
    %mul3A = vector.broadcast %get3A_11 : vector<10000x1xf32> to vector<10000x128xf32>
    %mul3A_12 = arith.mulf %add3A_8, %mul3A : vector<10000x128xf32>
    %swap3A = arith.constant 0 : index
    %swap3A_13 = arith.constant 0 : index
    %swap3A_14 = vector.load %arg4[%swap3A, %swap3A_13] : memref<10000x128xf32, #tpu.memory_space<vmem>>, vector<10000x128xf32>
    tpu.vector_store %arg4[%swap3A, %swap3A_13], %mul3A_12 {strides = array<i32>} : memref<10000x128xf32, #tpu.memory_space<vmem>>, vector<10000x128xf32>,
    return
  }
}

module attributes {stable_mosaic.version = 14 : i64} {
  func.func @_stage_final(%arg0: memref<10240x128xf32, #tpu.memory_space<vmem>>, %arg1: memref<10240x128xf32, #tpu.memory_space<vmem>>, %arg2: memref<10000x128xf32, #tpu.memory_space<vmem>>, %arg3: memref<10000x1xf32, #tpu.memory_space<vmem>>, %arg4: memref<128xf32, #tpu.memory_space<vmem>>, %arg5: memref<10000x128xf32, #tpu.memory_space<vmem>>) attributes {dimension_semantics = [], scalar_prefetch = 0 : i64, scratch_operands = 0 : i64, tpu.core_type = #tpu.core_type<tc>} {
    %get3A = arith.constant 0 : index
    %get3A_0 = arith.constant 0 : index
    %get3A_1 = vector.load %arg0[%get3A, %get3A_0] : memref<10240x128xf32, #tpu.memory_space<vmem>>, vector<10000x128xf32>
    %get3A_2 = arith.constant 0 : index
    %get3A_3 = arith.constant 0 : index
    %get3A_4 = vector.load %arg1[%get3A_2, %get3A_3] : memref<10240x128xf32, #tpu.memory_space<vmem>>, vector<10000x128xf32>
    %add3A = arith.addf %get3A_1, %get3A_4 : vector<10000x128xf32>
    %get3A_5 = arith.constant 0 : index
    %get3A_6 = arith.constant 0 : index
    %get3A_7 = vector.load %arg2[%get3A_5, %get3A_6] : memref<10000x128xf32, #tpu.memory_space<vmem>>, vector<10000x128xf32>
    %add3A_8 = arith.addf %add3A, %get3A_7 : vector<10000x128xf32>
    %get3A_9 = arith.constant 0 : index
    %get3A_10 = arith.constant 0 : index
    %get3A_11 = vector.load %arg3[%get3A_9, %get3A_10] : memref<10000x1xf32, #tpu.memory_space<vmem>>, vector<10000x1xf32>
    %mul3A = vector.broadcast %get3A_11 : vector<10000x1xf32> to vector<10000x128xf32>
    %mul3A_12 = arith.mulf %add3A_8, %mul3A : vector<10000x128xf32>
    %get3A_13 = arith.constant 0 : index
    %get3A_14 = vector.load %arg4[%get3A_13] : memref<128xf32, #tpu.memory_space<vmem>>, vector<128xf32>
    %broadcast_in_dim3A = vector.shape_cast %get3A_14 : vector<128xf32> to vector<1x128xf32>
    %add3A_15 = vector.broadcast %broadcast_in_dim3A : vector<1x128xf32> to vector<10000x128xf32>
    %add3A_16 = arith.addf %mul3A_12, %add3A_15 : vector<10000x128xf32>
    %swap3A = arith.constant 0 : index
    %swap3A_17 = arith.constant 0 : index
    %swap3A_18 = vector.load %arg5[%swap3A, %swap3A_17] : memref<10000x128xf32, #tpu.memory_space<vmem>>, vector<10000x128xf32>
    tpu.vector_store %arg5[%swap3A, %swap3A_17], %add3A_16 {strides = array<i32>} : memref<10000x128xf32, #tpu.memory_space<vmem>>, vector<10000x128xf32>,
    return
  }
}

</mosaic_0001>

<sc_bundles>
// kernel: kernel.12.cloned.1.call-start
scs
__scs_entry_jumppad:
0x0: {  	(pc) =	sbr.rel $0x88, $3  }
0x1: {  	(tag) =	ssettag $0x0;
	lr =	simm.s32 $0x1  }
0x2: {  	[smem:$0x3F9D] =	sst lr;
	_ =	strace $0xD0000000  }
0x3: {  	_ = 	snop  }
0x4: {  	_ = 	snop  }
0x5: {  	_ = 	snop  }
0x6: {  	_ = 	snop  }
0x7: {  	_ = 	snop  }
__scs_overlays_trampoline_lowered:
0x8: {  	[smem:$0x3FAC] =	sst s0  }
0x9: {  	[smem:$0x3FAD] =	sst s1  }
0xa: {  	[smem:$0x3FAE] =	sst s2  }
0xb: {  	[smem:$0x3FAF] =	sst s3  }
0xc: {  	[smem:$0x3FB0] =	sst s4  }
0xd: {  	[smem:$0x3FB1] =	sst s5  }
0xe: {  	[smem:$0x3FB2] =	sst s6  }
0xf: {  	[smem:$0x3FB3] =	sst s7  }
0x10: {  	[smem:$0x3FB4] =	sst s8  }
0x11: {  	[smem:$0x3FB5] =	sst s9;
	s0 =	simm.s32 @!p0 $0x0  }
0x12: {  	s1 =	sld [smem:$0x3F9B];
	s0 =	simm.s32 @p0 $0x1  }
0x13: {  	[smem:$0x3FB6] =	sst s0;
	s0 =	simm.s32 @!p1 $0x0  }
0x14: {  	s2 =	sld [smem:$0x3F9A];
	s0 =	simm.s32 @p1 $0x1  }
0x15: {  	[smem:$0x3FB7] =	sst s0;
	s0 =	simm.s32 @!p2 $0x0  }
0x16: {  	s3 =	sld [smem:$0x3FDB];
	s0 =	simm.s32 @p2 $0x1  }
0x17: {  	s4 =	simm.s32 $0x1BF5;
	[smem:$0x3FB9] =	sst s0  }
0x18: {  	s0 =	sld [smem:$0x3F9C];
	_ =	swait.ge [sflag:s4], $0x0  }
0x19: {  	s7 =	sld [smem:$0x3F9D]  }
0x1a: {  	s8 =	sadd.s32 $0xFFFFE003, lr  }
0x1b: {  	s9 =	sadd.s32 $0xFFFFFEF7, lr;
	s5 =	simm.s32 $0xFFFFFFFF;
	p2 =	slt.u32 s8, $0xFFFFF086  }
0x1c: {  	p1 =	slt.u32 s9, $0xF7A;
	s5 =	simm.s32 @!p2 $0x0  }
0x1d: {  	s5 =	simm.s32 @p1 $0x1;
	p0 =	seq.s32 s7, s2  }
0x1e: {  	s7 =	smul.u32 @!p0 $0xF7A, s2;
	p2 =	seq.s32 @!p0 s5, $0x0  }
0x1f: {  	s9 =	smul.u32 $0xF7A, s1;
	s8 =	simm.s32 @!p0 $0x1BF5;
	p2 =	por !p2, p0  }
0x20: {  	[sflag:s8] =	ssyncset.s32 @!p0 $0xFFFFF086;
	s6 =	sadd.s32 @!p0 s3, s7;
	s7 =	simm.s32 @!p0 $0x108  }
0x21: {  	s3 =	sadd.s32 s3, s9;
	s6 =	sadd.s32 @!p0 $0x88, s6;
	s7 =	simm.s32 @p2 $0x1082  }
0x22: {  	[simem:s7], [sflag:s8] =	dma.local @!p0 [hbm:s6], $0xF7A  }
0x23: {  	s9 =	sor.u32 $0xD0000000, s2;
	s6 =	simm.s32 $0x108;
	_ =	swait.ge @!p0 [sflag:s8], $0x0  }
0x24: {  	s3 =	sadd.s32 $0x88, s3;
	s6 =	simm.s32 @!p1 $0x1082;
	[sflag:s4] =	ssyncset.s32 $0xFFFFF086  }
0x25: {  	[simem:s6], [sflag:s4] =	dma.local [hbm:s3], $0xF7A  }
0x26: {  	[smem:$0x3F9D] =	sst s1;
	(tag) =	ssettag s2;
	_ =	strace s9  }
0x27: {  	s1 =	sld [smem:$0x3FAD]  }
0x28: {  	s2 =	sld [smem:$0x3FAE]  }
0x29: {  	s4 =	sld [smem:$0x3FB0]  }
0x2a: {  	p0 =	seq.s32 s5, $0x0;
	s5 =	sld [smem:$0x3FB1]  }
0x2b: {  	s6 =	sld [smem:$0x3FB2]  }
0x2c: {  	s7 =	sld [smem:$0x3FB3]  }
0x2d: {  	s3 =	simm.s32 $0x108;
	s8 =	sld [smem:$0x3FB4]  }
0x2e: {  	s3 =	simm.s32 @!p0 $0x1082;
	s9 =	sld [smem:$0x3FB5]  }
0x2f: {  	lr =	sadd.s32 s0, s3;
	s0 =	sld [smem:$0x3FAC]  }
0x30: {  	s3 =	sld [smem:$0x3FAF]  }
0x31: {  	[smem:$0x3FB8] =	sst s10  }
0x32: {  	s10 =	sld [smem:$0x3FB6];
	_ =	sdelay $0x3  }
0x33: {  	p0 =	seq.s32 s10, $0x1;
	s10 =	sld [smem:$0x3FB8];
	_ =	sdelay $0x3  }
0x34: {  	[smem:$0x3FB8] =	sst s10  }
0x35: {  	s10 =	sld [smem:$0x3FB7];
	_ =	sdelay $0x3  }
0x36: {  	p1 =	seq.s32 s10, $0x1;
	s10 =	sld [smem:$0x3FB8];
	_ =	sdelay $0x3  }
0x37: {  	[smem:$0x3FB8] =	sst s10  }
0x38: {  	s10 =	sld [smem:$0x3FB9]  }
0x39: {  	_ = 	snop;
	(pc) =	sbr.ind lr, $3  }
0x3a: {  	_ = 	snop  }
0x3b: {  	_ = 	snop  }
0x3c: {  	p2 =	seq.s32 s10, $0x1;
	s10 =	sld [smem:$0x3FB8]  }
0x3d: {  	_ =	shalt  }
0x3e: {  	_ =	shalt  }
0x3f: {  	_ =	shalt  }
0x40: {  	_ =	shalt  }
0x41: {  	_ =	shalt  }
0x42: {  	_ =	shalt  }
0x43: {  	_ =	shalt  }
0x44: {  	_ =	shalt  }
0x45: {  	_ =	shalt  }
0x46: {  	_ =	shalt  }
0x47: {  	_ =	shalt  }
0x48: {  	_ =	shalt  }
0x49: {  	_ =	shalt  }
0x4a: {  	_ =	shalt  }
0x4b: {  	_ =	shalt  }
0x4c: {  	_ =	shalt  }
0x4d: {  	_ =	shalt  }
0x4e: {  	_ =	shalt  }
0x4f: {  	_ =	shalt  }
0x50: {  	_ =	shalt  }
0x51: {  	_ =	shalt  }
0x52: {  	_ =	shalt  }
0x53: {  	_ =	shalt  }
0x54: {  	_ =	shalt  }
0x55: {  	_ =	shalt  }
0x56: {  	_ =	shalt  }
0x57: {  	_ =	shalt  }
0x58: {  	_ =	shalt  }
0x59: {  	_ =	shalt  }
0x5a: {  	_ =	shalt  }
0x5b: {  	_ =	shalt  }
0x5c: {  	_ =	shalt  }
0x5d: {  	_ =	shalt  }
0x5e: {  	_ =	shalt  }
0x5f: {  	_ =	shalt  }
0x60: {  	_ =	shalt  }
0x61: {  	_ =	shalt  }
0x62: {  	_ =	shalt  }
0x63: {  	_ =	shalt  }
0x64: {  	_ =	shalt  }
0x65: {  	_ =	shalt  }
0x66: {  	_ =	shalt  }
0x67: {  	_ =	shalt  }
0x68: {  	_ =	shalt  }
0x69: {  	_ =	shalt  }
0x6a: {  	_ =	shalt  }
0x6b: {  	_ =	shalt  }
0x6c: {  	_ =	shalt  }
0x6d: {  	_ =	shalt  }
0x6e: {  	_ =	shalt  }
0x6f: {  	_ =	shalt  }
0x70: {  	_ =	shalt  }
0x71: {  	_ =	shalt  }
0x72: {  	_ =	shalt  }
0x73: {  	_ =	shalt  }
0x74: {  	_ =	shalt  }
0x75: {  	_ =	shalt  }
0x76: {  	_ =	shalt  }
0x77: {  	_ =	shalt  }
0x78: {  	_ =	shalt  }
0x79: {  	_ =	shalt  }
0x7a: {  	_ =	shalt  }
0x7b: {  	_ =	shalt  }
0x7c: {  	_ =	shalt  }
0x7d: {  	_ =	shalt  }
0x7e: {  	_ =	shalt  }
0x7f: {  	_ =	shalt  }
0x80: {  	_ =	shalt  }
0x81: {  	_ =	shalt  }
0x82: {  	_ =	shalt  }
0x83: {  	_ =	shalt  }
0x84: {  	_ =	shalt  }
0x85: {  	_ =	shalt  }
0x86: {  	_ =	shalt  }
0x87: {  	_ =	shalt  }
.Lfunc_end0:
.L_simem_size_0:
called_computation.1_lowered:
.L_overlay_start_0:
0x88: {  	s2 =	sld [smem:$0x3FD9]  }
0x89: {  	s3 =	sld [smem:$0x3FFE];
	_ =	sdelay $0x1  }
0x8a: {  	s1 =	srdreg.scid  }
0x8b: {  	s0 =	sand.u32 $0x1, s1  }
0x8c: {  	s17 =	sshll.u32 s0, $0xA;
	s2 =	sadd.s32 s3, s2  }
0x8d: {  	s2 =	sadd.s32 s2, s17  }
0x8e: {  	[smem:$0x3FC4] =	sst s2  }
0x8f: {  	_ = 	snop  }
0x90: {  	s2 =	sld [smem:$0x3FD0];
	(tm) =	ssettm $0x1  }
0x91: {  	s18 =	sld [smem:$0x3FFB];
	_ =	sdelay $0x3  }
0x92: {  	_ =	strace s18  }
0x93: {  	s3 =	sld [smem:$0x3FFC];
	_ =	sdelay $0x3  }
0x94: {  	_ =	strace s3  }
0x95: {  	s3 =	sld [smem:$0x3FFD];
	_ =	sdelay $0x3  }
0x96: {  	_ =	strace s3  }
0x97: {  	_ =	strace $0x8FFFFFFF  }
0x98: {  	s19 =	sld [smem:$0x3FDB];
	_ =	sdelay $0x1  }
0x99: {  	s4 =	simm.s32 $_scs_section_size  }
0x9a: {  	s5 =	simm.s32 $_size__tile_overlayer_lowered;
	s6 =	simm.s32 $_tile_overlayer_lowered  }
0x9b: {  	s22 =	simm.s32 $0x1BFF;
	s21 =	sshll.u32 s6, $0x1;
	s3 =	sadd.s32 s4, s19  }
0x9c: {  	s7 =	simm.s32 $0x0;
	s20 =	sshll.u32 s5, $0x1;
	s5 =	sadd.s32 s21, s3  }
0x9d: {  	[timem:s7], [sflag:s22] =	dma.local [hbm:s5], s20  }
0x9e: {  	_ =	swait.ge [sflag:s22], s20  }
0x9f: {  	s4 =	ssub.s32 $0x0, s20;
	[sflag:s22] =	ssyncset.done $0x0  }
0xa0: {  	[sflag:s22] =	ssyncadd.s32 s4;
	_ =	sdelay $0x1  }
0xa1: {  	s23 =	simm.s32 $0x1B8B  }
0xa2: {  	_ =	swait.ge [sflag:s23], $0x1  }
0xa3: {  	[sflag:s23] =	ssyncset.done $0x0  }
0xa4: {  	s25 =	simm.s32 $0x1B8E;
	s24 =	sld [smem:$0x3FFE];
	[sflag:s23] =	ssyncadd.s32 $0xFFFFFFFF  }
0xa5: {  	s26 =	simm.s32 $execute0_lowered;
	[smem:$0x3FD2] =	sst s25  }
0xa6: {  	s5 =	sshll.u32 s26, $0x1;
	_ =	strace $0x80000049;
	[dreg:$0x1] =	wrdreg $0xFFFFFFFF  }
0xa7: {  	s28 =	simm.s32 $_size_execute0_lowered;
	s3 =	sadd.s32 s3, s5;
	[dreg:$0x0] =	wrdreg $0x0  }
0xa8: {  	s5 =	sshll.u32 s28, $0x1;
	[dreg:$0x2] =	wrdreg s3  }
0xa9: {  	[dreg:$0x3] =	wrdreg s5  }
0xaa: {  	[dreg:$0x4] =	wrdreg $0xC0  }
0xab: {  	_ =	task [dreg:s7], $0x5FFFF  }
0xac: {  	[dreg:$0x1] =	wrdreg $0xFFFFFFFF  }
0xad: {  	[dreg:$0x0] =	wrdreg $0x60  }
0xae: {  	[dreg:$0x2] =	wrdreg s2  }
0xaf: {  	[dreg:$0x3] =	wrdreg s24  }
0xb0: {  	[dreg:$0x4] =	wrdreg $0xA8000  }
0xb1: {  	[dreg:$0x5] =	wrdreg $0x9  }
0xb2: {  	_ =	task.clear_ibuf [dreg:s7], $0x6FFFF;
	_ =	strace $0x90000049  }
0xb3: {  	s29 =	simm.s32 $0x9;
	_ =	strace $0x8000004B  }
0xb4: {  	_ =	swait.ge [sflag:s29], $0x1  }
0xb5: {  	[sflag:s29] =	ssyncadd.s32 $0xFFFFFFFF  }
0xb6: {  	_ =	strace $0x9000004B  }
0xb7: {  	_ =	sfence  }
0xb8: {  	s30 =	sld [smem:$0x0];
	_ =	sdelay $0x2  }
0xb9: {  	s31 =	sshll.u32 s1, $0xD;
	s1 =	sshrl.u32 s1, $0x2  }
0xba: {  	s3 =	sand.u32 $0x4000, s31;
	s1 =	sadd.s32 s1, s30  }
0xbb: {  	s0 =	sor.u32 s3, s0;
	s1 =	sshll.u32 s1, $0x11  }
0xbc: {  	s0 =	sor.u32 s1, s0  }
0xbd: {  	s0 =	sadd.s32 $0x8F2B, s0  }
0xbe: {  	[sflag:s0] =	ssyncadd.remote.s32 $0x1  }
0xbf: {  	_ =	sfence.sel $0xFFFF  }
0xc0: {  	[dreg:$0x0] =	wrdreg $0xFFFFFFFF;
	(pc) =	sbr.abs _section_cstart, $3  }
0xc1: {  	[dreg:$0x1] =	wrdreg $0xFFFFFFFF  }
0xc2: {  	_ =	task.clear_ibuf [dreg:s7], $0x2FFFF;
	_ =	strace $0x9FFFFFFF  }
0xc3: {  	(tm) =	ssettm $0x7FFFFFFF  }
tec
execute0_lowered:
.L_overlay_start_1:
0x0: {  	(tag) =	ssettag $0x1  }
0x1: {  	s1 =	rddreg [dreg:$0x0]  }
0x2: {  	s10 =	rddreg [dreg:$0x1]  }
0x3: {  	s2 =	rddreg [dreg:$0x2]  }
0x4: {  	s0 =	rddreg [dreg:$0x3];
	s3 =	simm.s32 $0x0  }
0x5: {  	s4 =	srdreg.scid;
	s16 =	simm.s32 $0x69400;
	s18 =	simm.s32 $0x6800  }
0x6: {  	s19 =	simm.s32 $0x1;
	s20 =	simm.s32 $0x2;
	s21 =	simm.s32 $0x1380  }
0x7: {  	s22 =	simm.s32 $0x2700;
	s23 =	simm.s32 $0x2780;
	s24 =	simm.s32 $0x0  }
0x8: {  	[smem:$0x7FF] =	sst s3;
	s9 =	sadd.s32 $0xDA00, s10;
	s11 =	sadd.s32 $0x3600, s10  }
0x9: {  	s8 =	sand.u32 $0x1, s4;
	s4 =	stileid.u32;
	_ =	strace $0x8000004A  }
0xa: {  	s6 =	ssub.s32 $0x2, s8;
	s5 =	sshll.u32 s8, $0x4;
	s13 =	smul.u32 $0x50000, s4  }
0xb: {  	s30 =	sshll.u32 s4, $0x6;
	p0 =	seq.s32 s8, $0x1;
	s17 =	smul.u32 $0x2800, s4  }
0xc: {  	s7 =	sshrl.u32 s6, $0x1;
	s12 =	sor.u32 s4, s5;
	s5 =	sadd.s32 $0x3EC00, s10  }
0xd: {  	s16 =	simm.s32 @!p0 $0x41400;
	s14 =	ssub.s32 s6, s7;
	s15 =	smul.u32 $0x500, s12  }
0xe: {  	s29 =	sshrl.u32 s13, $0x2;
	s12 =	smul.u32 $0x2800, s12;
	s6 =	sor.u32 $0x1C03, s30  }
0xf: {  	s31 =	sadd.s32 s16, s10;
	s16 =	simm.s32 $0x7D;
	s13 =	sadd.s32 s29, s2  }
0x10: {  	s7 =	sadd.s32 s9, s15;
	s12 =	sshrl.u32 s12, $0x3;
	s8 =	sadd.s32 s11, s15  }
0x11: {  	s13 =	sshrl.u32 s13, $0x3;
	s15 =	simm.s32 $0x1400;
	s12 =	sadd.s32 $0x280, s12  }
0x12: {  	s9 =	sadd.s32 s9, s12;
	s10 =	sadd.s32 s11, s12;
	s11 =	smax.u32 s14, $0x1  }
0x13: {  	s12 =	sadd.s32 s31, s17;
	s14 =	simm.s32 $0x3;
	s17 =	simm.s32 $0x2800  }
.LBB2_1:
0x14: {  	[spmem:s13], [sflag:s6] =	dma.local [hbm:s5], $0x2800  }
0x15: {  	_ =	swait.ge [sflag:s14], $0x2800  }
0x16: {  	[sflag:s14] =	ssyncset.done $0x0  }
0x17: {  	[sflag:s14] =	ssyncadd.s32 $0xFFFFD800  }
0x18: {  	[bflag:$0x0] =	sbarrier.arrive $0xFFFF  }
0x19: {  	[tilespmem:s3], [sflag:$0x3] =	stream.linear.gather [hbm4b:s7+s3], $0x1400, $0x38;
	[tilespmem:$0x1E800] =	vst v63  }
0x1a: {  	_ =	swait.ge [sflag:s14], $0x1400  }
0x1b: {  	[sflag:s14] =	ssyncset.done $0x0  }
0x1c: {  	[sflag:s14] =	ssyncadd.s32 $0xFFFFEC00  }
0x1d: {  	[tilespmem:s15], [sflag:$0x3] =	stream.linear.gather [hbm4b:s8+s3], $0x1400, $0x38;
	[tilespmem:$0x1E800] =	vst v63  }
0x1e: {  	_ =	swait.ge [sflag:s14], $0x1400  }
0x1f: {  	[sflag:s14] =	ssyncset.done $0x0  }
0x20: {  	[sflag:s14] =	ssyncadd.s32 $0xFFFFEC00  }
0x21: {  	[tilespmem:s17], [sflag:$0x1] =	stream.indirect.gather [hbm4b:s1+s16], $0x80, s3, s16, $0xb8;
	[tilespmem:$0x1E800] =	vst v63  }
0x22: {  	s25 =	simm.s32 $0x80  }
0x23: {  	[tilespmem:s18], [sflag:$0x2] =	stream.indirect.gather [hbm4b:s1+s16], $0x80, s25, s16, $0xb8;
	[tilespmem:$0x1E800] =	vst v63  }
0x24: {  	_ =	swait.ge [sflag:s19], $0x3E80  }
0x25: {  	[sflag:s19] =	ssyncset.done $0x0  }
0x26: {  	s29 =	simm.s32 $0x1400;
	[sflag:s19] =	ssyncadd.s32 $0xFFFFC180  }
0x27: {  	[spmem:s2] =	stream.indirect.scatter.add.f32 [tilespmem:s17], [sflag:$0x3], $0x80, s29, s16, $0xb8;
	[tilespmem:$0x1E800] =	vst v63  }
0x28: {  	_ =	swait.ge [sflag:s14], $0x3E80  }
0x29: {  	[sflag:s14] =	ssyncset.done $0x0  }
0x2a: {  	s30 =	simm.s32 $0x100;
	[sflag:s14] =	ssyncadd.s32 $0xFFFFC180  }
0x2b: {  	[tilespmem:s17], [sflag:$0x1] =	stream.indirect.gather [hbm4b:s1+s16], $0x80, s30, s16, $0xb8;
	[tilespmem:$0x1E800] =	vst v63  }
0x2c: {  	_ =	swait.ge [sflag:s20], $0x3E80  }
0x2d: {  	[sflag:s20] =	ssyncset.done $0x0  }
0x2e: {  	s31 =	simm.s32 $0x1480;
	[sflag:s20] =	ssyncadd.s32 $0xFFFFC180  }
0x2f: {  	[spmem:s2] =	stream.indirect.scatter.add.f32 [tilespmem:s18], [sflag:$0x3], $0x80, s31, s16, $0xb8;
	[tilespmem:$0x1E800] =	vst v63  }
0x30: {  	_ =	swait.ge [sflag:s14], $0x3E80  }
0x31: {  	s26 =	simm.s32 $0x800;
	s25 =	simm.s32 $0x100;
	[sflag:s14] =	ssyncset.done $0x0  }
.LBB2_2:
0x32: {  	s28 =	sadd.s32 $0x80, s25  }
0x33: {  	[sflag:s14] =	ssyncadd.s32 $0xFFFFC180;
	s29 =	smov.u32 s26;
	s30 =	sadd.s32 $0x400, s26  }
0x34: {  	[tilespmem:s18], [sflag:$0x2] =	stream.indirect.gather [hbm4b:s1+s16], $0x80, s28, s16, $0xb8;
	[tilespmem:$0x1E800] =	vst v63  }
0x35: {  	p0 =	sne.s32 s26, $0x4800;
	_ =	swait.ge [sflag:s19], $0x3E80  }
0x36: {  	[sflag:s19] =	ssyncset.done $0x0  }
0x37: {  	s26 =	sadd.s32 $0x1400, s25;
	[sflag:s19] =	ssyncadd.s32 $0xFFFFC180  }
0x38: {  	[spmem:s2] =	stream.indirect.scatter.add.f32 [tilespmem:s17], [sflag:$0x3], $0x80, s26, s16, $0xb8;
	[tilespmem:$0x1E800] =	vst v63  }
0x39: {  	_ =	swait.ge [sflag:s14], $0x3E80  }
0x3a: {  	[sflag:s14] =	ssyncset.done $0x0  }
0x3b: {  	s26 =	sadd.s32 $0x100, s25;
	[sflag:s14] =	ssyncadd.s32 $0xFFFFC180  }
0x3c: {  	[tilespmem:s17], [sflag:$0x1] =	stream.indirect.gather [hbm4b:s1+s16], $0x80, s26, s16, $0xb8;
	[tilespmem:$0x1E800] =	vst v63  }
0x3d: {  	_ =	swait.ge [sflag:s20], $0x3E80  }
.Ltmp0:
0x3e: {  	[sflag:s20] =	ssyncset.done $0x0;
	(pc) =	sbr.rel @p0 .LBB2_2-.Ltmp0, $4  }
0x3f: {  	s25 =	sadd.s32 $0x1480, s25;
	[sflag:s20] =	ssyncadd.s32 $0xFFFFC180  }
0x40: {  	[spmem:s2] =	stream.indirect.scatter.add.f32 [tilespmem:s18], [sflag:$0x3], $0x80, s25, s16, $0xb8;
	[tilespmem:$0x1E800] =	vst v63  }
0x41: {  	_ =	swait.ge [sflag:s14], $0x3E80  }
0x42: {  	s26 =	smov.u32 s30;
	s25 =	sshra.s32 s29, $0x2;
	[sflag:s14] =	ssyncset.done $0x0  }
0x43: {  	s26 =	sadd.s32 $0x80, s25;
	[sflag:s14] =	ssyncadd.s32 $0xFFFFC180  }
0x44: {  	[tilespmem:s18], [sflag:$0x2] =	stream.indirect.gather [hbm4b:s1+s16], $0x80, s26, s16, $0xb8;
	[tilespmem:$0x1E800] =	vst v63  }
0x45: {  	_ =	swait.ge [sflag:s19], $0x3E80  }
0x46: {  	[sflag:s19] =	ssyncset.done $0x0  }
0x47: {  	s29 =	sadd.s32 $0x1400, s25;
	[sflag:s19] =	ssyncadd.s32 $0xFFFFC180  }
0x48: {  	[spmem:s2] =	stream.indirect.scatter.add.f32 [tilespmem:s17], [sflag:$0x3], $0x80, s29, s16, $0xb8;
	[tilespmem:$0x1E800] =	vst v63  }
0x49: {  	_ =	swait.ge [sflag:s14], $0x3E80  }
0x4a: {  	[sflag:s14] =	ssyncset.done $0x0  }
0x4b: {  	s30 =	sadd.s32 $0x100, s25;
	[sflag:s14] =	ssyncadd.s32 $0xFFFFC180  }
0x4c: {  	[tilespmem:s17], [sflag:$0x1] =	stream.indirect.gather [hbm4b:s1+s16], $0x80, s30, s16, $0xb8;
	[tilespmem:$0x1E800] =	vst v63  }
0x4d: {  	_ =	swait.ge [sflag:s20], $0x3E80  }
0x4e: {  	[sflag:s20] =	ssyncset.done $0x0  }
0x4f: {  	s31 =	sadd.s32 $0x1480, s25;
	[sflag:s20] =	ssyncadd.s32 $0xFFFFC180  }
0x50: {  	[spmem:s2] =	stream.indirect.scatter.add.f32 [tilespmem:s18], [sflag:$0x3], $0x80, s31, s16, $0xb8;
	[tilespmem:$0x1E800] =	vst v63  }
0x51: {  	_ =	swait.ge [sflag:s14], $0x3E80  }
0x52: {  	[sflag:s14] =	ssyncset.done $0x0  }
0x53: {  	[sflag:s14] =	ssyncadd.s32 $0xFFFFC180  }
0x54: {  	[tilespmem:s18], [sflag:$0x2] =	stream.indirect.gather [hbm4b:s1+s16], $0x80, s21, s16, $0xb8;
	[tilespmem:$0x1E800] =	vst v63  }
0x55: {  	_ =	swait.ge [sflag:s19], $0x3E80  }
0x56: {  	[sflag:s19] =	ssyncset.done $0x0  }
0x57: {  	[sflag:s19] =	ssyncadd.s32 $0xFFFFC180  }
0x58: {  	[spmem:s2] =	stream.indirect.scatter.add.f32 [tilespmem:s17], [sflag:$0x3], $0x80, s22, s16, $0xb8;
	[tilespmem:$0x1E800] =	vst v63  }
0x59: {  	_ =	swait.ge [sflag:s14], $0x3E80  }
0x5a: {  	[sflag:s14] =	ssyncset.done $0x0  }
0x5b: {  	[sflag:s14] =	ssyncadd.s32 $0xFFFFC180  }
0x5c: {  	_ =	swait.ge [sflag:s20], $0x3E80  }
0x5d: {  	[sflag:s20] =	ssyncset.done $0x0  }
0x5e: {  	[sflag:s20] =	ssyncadd.s32 $0xFFFFC180  }
0x5f: {  	[spmem:s2] =	stream.indirect.scatter.add.f32 [tilespmem:s18], [sflag:$0x3], $0x80, s23, s16, $0xb8;
	[tilespmem:$0x1E800] =	vst v63  }
0x60: {  	_ =	swait.ge [sflag:s14], $0x3E80  }
0x61: {  	[sflag:s14] =	ssyncset.done $0x0  }
0x62: {  	s26 =	simm.s32 $0x0;
	[sflag:s14] =	ssyncadd.s32 $0xFFFFC180  }
0x63: {  	[tilespmem:s26], [sflag:$0x3] =	stream.linear.gather [hbm4b:s9+s26], $0x1400, $0x38;
	[tilespmem:$0x1E800] =	vst v63  }
0x64: {  	_ =	swait.ge [sflag:s14], $0x1400  }
0x65: {  	[sflag:s14] =	ssyncset.done $0x0  }
0x66: {  	[sflag:s14] =	ssyncadd.s32 $0xFFFFEC00  }
0x67: {  	[tilespmem:s15], [sflag:$0x3] =	stream.linear.gather [hbm4b:s10+s26], $0x1400, $0x38;
	[tilespmem:$0x1E800] =	vst v63  }
0x68: {  	_ =	swait.ge [sflag:s14], $0x1400  }
0x69: {  	[sflag:s14] =	ssyncset.done $0x0  }
0x6a: {  	[sflag:s14] =	ssyncadd.s32 $0xFFFFEC00  }
0x6b: {  	[tilespmem:s17], [sflag:$0x1] =	stream.indirect.gather [hbm4b:s1+s16], $0x80, s26, s16, $0xb8;
	[tilespmem:$0x1E800] =	vst v63  }
0x6c: {  	s28 =	simm.s32 $0x80  }
0x6d: {  	[tilespmem:s18], [sflag:$0x2] =	stream.indirect.gather [hbm4b:s1+s16], $0x80, s28, s16, $0xb8;
	[tilespmem:$0x1E800] =	vst v63  }
0x6e: {  	_ =	swait.ge [sflag:s19], $0x3E80  }
0x6f: {  	[sflag:s19] =	ssyncset.done $0x0  }
0x70: {  	s29 =	simm.s32 $0x1400;
	[sflag:s19] =	ssyncadd.s32 $0xFFFFC180  }
0x71: {  	[spmem:s2] =	stream.indirect.scatter.add.f32 [tilespmem:s17], [sflag:$0x3], $0x80, s29, s16, $0xb8;
	[tilespmem:$0x1E800] =	vst v63  }
0x72: {  	_ =	swait.ge [sflag:s14], $0x3E80  }
0x73: {  	[sflag:s14] =	ssyncset.done $0x0  }
0x74: {  	s30 =	simm.s32 $0x100;
	[sflag:s14] =	ssyncadd.s32 $0xFFFFC180  }
0x75: {  	[tilespmem:s17], [sflag:$0x1] =	stream.indirect.gather [hbm4b:s1+s16], $0x80, s30, s16, $0xb8;
	[tilespmem:$0x1E800] =	vst v63  }
0x76: {  	_ =	swait.ge [sflag:s20], $0x3E80  }
0x77: {  	[sflag:s20] =	ssyncset.done $0x0  }
0x78: {  	s31 =	simm.s32 $0x1480;
	[sflag:s20] =	ssyncadd.s32 $0xFFFFC180  }
0x79: {  	[spmem:s2] =	stream.indirect.scatter.add.f32 [tilespmem:s18], [sflag:$0x3], $0x80, s31, s16, $0xb8;
	[tilespmem:$0x1E800] =	vst v63  }
0x7a: {  	_ =	swait.ge [sflag:s14], $0x3E80  }
0x7b: {  	s25 =	simm.s32 $0x100;
	s26 =	simm.s32 $0x800;
	[sflag:s14] =	ssyncset.done $0x0  }
.LBB2_4:
0x7c: {  	s28 =	sadd.s32 $0x80, s25  }
0x7d: {  	[sflag:s14] =	ssyncadd.s32 $0xFFFFC180;
	s29 =	smov.u32 s26;
	s30 =	sadd.s32 $0x400, s26  }
0x7e: {  	[tilespmem:s18], [sflag:$0x2] =	stream.indirect.gather [hbm4b:s1+s16], $0x80, s28, s16, $0xb8;
	[tilespmem:$0x1E800] =	vst v63  }
0x7f: {  	p0 =	sne.s32 s26, $0x4800;
	_ =	swait.ge [sflag:s19], $0x3E80  }
0x80: {  	[sflag:s19] =	ssyncset.done $0x0  }
0x81: {  	s26 =	sadd.s32 $0x1400, s25;
	[sflag:s19] =	ssyncadd.s32 $0xFFFFC180  }
0x82: {  	[spmem:s2] =	stream.indirect.scatter.add.f32 [tilespmem:s17], [sflag:$0x3], $0x80, s26, s16, $0xb8;
	[tilespmem:$0x1E800] =	vst v63  }
0x83: {  	_ =	swait.ge [sflag:s14], $0x3E80  }
0x84: {  	[sflag:s14] =	ssyncset.done $0x0  }
0x85: {  	s26 =	sadd.s32 $0x100, s25;
	[sflag:s14] =	ssyncadd.s32 $0xFFFFC180  }
0x86: {  	[tilespmem:s17], [sflag:$0x1] =	stream.indirect.gather [hbm4b:s1+s16], $0x80, s26, s16, $0xb8;
	[tilespmem:$0x1E800] =	vst v63  }
0x87: {  	_ =	swait.ge [sflag:s20], $0x3E80  }
.Ltmp1:
0x88: {  	[sflag:s20] =	ssyncset.done $0x0;
	(pc) =	sbr.rel @p0 .LBB2_4-.Ltmp1, $4  }
0x89: {  	s25 =	sadd.s32 $0x1480, s25;
	[sflag:s20] =	ssyncadd.s32 $0xFFFFC180  }
0x8a: {  	[spmem:s2] =	stream.indirect.scatter.add.f32 [tilespmem:s18], [sflag:$0x3], $0x80, s25, s16, $0xb8;
	[tilespmem:$0x1E800] =	vst v63  }
0x8b: {  	_ =	swait.ge [sflag:s14], $0x3E80  }
0x8c: {  	s26 =	smov.u32 s30;
	s25 =	sshra.s32 s29, $0x2;
	[sflag:s14] =	ssyncset.done $0x0  }
0x8d: {  	s26 =	sadd.s32 $0x80, s25;
	[sflag:s14] =	ssyncadd.s32 $0xFFFFC180  }
0x8e: {  	[tilespmem:s18], [sflag:$0x2] =	stream.indirect.gather [hbm4b:s1+s16], $0x80, s26, s16, $0xb8;
	[tilespmem:$0x1E800] =	vst v63  }
0x8f: {  	_ =	swait.ge [sflag:s19], $0x3E80  }
0x90: {  	[sflag:s19] =	ssyncset.done $0x0  }
0x91: {  	s29 =	sadd.s32 $0x1400, s25;
	[sflag:s19] =	ssyncadd.s32 $0xFFFFC180  }
0x92: {  	[spmem:s2] =	stream.indirect.scatter.add.f32 [tilespmem:s17], [sflag:$0x3], $0x80, s29, s16, $0xb8;
	[tilespmem:$0x1E800] =	vst v63  }
0x93: {  	_ =	swait.ge [sflag:s14], $0x3E80  }
0x94: {  	[sflag:s14] =	ssyncset.done $0x0  }
0x95: {  	s30 =	sadd.s32 $0x100, s25;
	[sflag:s14] =	ssyncadd.s32 $0xFFFFC180  }
0x96: {  	[tilespmem:s17], [sflag:$0x1] =	stream.indirect.gather [hbm4b:s1+s16], $0x80, s30, s16, $0xb8;
	[tilespmem:$0x1E800] =	vst v63  }
0x97: {  	_ =	swait.ge [sflag:s20], $0x3E80  }
0x98: {  	[sflag:s20] =	ssyncset.done $0x0  }
0x99: {  	s31 =	sadd.s32 $0x1480, s25;
	[sflag:s20] =	ssyncadd.s32 $0xFFFFC180  }
0x9a: {  	[spmem:s2] =	stream.indirect.scatter.add.f32 [tilespmem:s18], [sflag:$0x3], $0x80, s31, s16, $0xb8;
	[tilespmem:$0x1E800] =	vst v63  }
0x9b: {  	_ =	swait.ge [sflag:s14], $0x3E80  }
0x9c: {  	[sflag:s14] =	ssyncset.done $0x0  }
0x9d: {  	[sflag:s14] =	ssyncadd.s32 $0xFFFFC180  }
0x9e: {  	[tilespmem:s18], [sflag:$0x2] =	stream.indirect.gather [hbm4b:s1+s16], $0x80, s21, s16, $0xb8;
	[tilespmem:$0x1E800] =	vst v63  }
0x9f: {  	_ =	swait.ge [sflag:s19], $0x3E80  }
0xa0: {  	[sflag:s19] =	ssyncset.done $0x0  }
0xa1: {  	[sflag:s19] =	ssyncadd.s32 $0xFFFFC180  }
0xa2: {  	[spmem:s2] =	stream.indirect.scatter.add.f32 [tilespmem:s17], [sflag:$0x3], $0x80, s22, s16, $0xb8;
	[tilespmem:$0x1E800] =	vst v63  }
0xa3: {  	_ =	swait.ge [sflag:s14], $0x3E80  }
0xa4: {  	[sflag:s14] =	ssyncset.done $0x0  }
0xa5: {  	[sflag:s14] =	ssyncadd.s32 $0xFFFFC180  }
0xa6: {  	_ =	swait.ge [sflag:s20], $0x3E80  }
0xa7: {  	[sflag:s20] =	ssyncset.done $0x0  }
0xa8: {  	[sflag:s20] =	ssyncadd.s32 $0xFFFFC180  }
0xa9: {  	[spmem:s2] =	stream.indirect.scatter.add.f32 [tilespmem:s18], [sflag:$0x3], $0x80, s23, s16, $0xb8;
	[tilespmem:$0x1E800] =	vst v63  }
0xaa: {  	_ =	swait.ge [sflag:s14], $0x3E80  }
0xab: {  	s24 =	sadd.s32 $0x1, s24;
	[sflag:s14] =	ssyncset.done $0x0  }
0xac: {  	p0 =	sne.s32 s24, s11;
	[sflag:s14] =	ssyncadd.s32 $0xFFFFC180  }
.Ltmp2:
0xad: {  	[bflag:$0x0] =	sbarrier.arrive $0xFFFF;
	(pc) =	sbr.rel @p0 .LBB2_1-.Ltmp2, $4  }
0xae: {  	[hbm:s12], [sflag:s6] =	dma.local [spmem:s13], $0x2800  }
0xaf: {  	_ =	swait.ge [sflag:s14], $0x2800  }
0xb0: {  	[sflag:s14] =	ssyncset.done $0x0  }
0xb1: {  	[sflag:s14] =	ssyncadd.s32 $0xFFFFD800  }
0xb2: {  	_ =	sfence.sel $0x180000  }
0xb3: {  	[bflag:$0x0] =	sbarrier.arrive $0xFFFF  }
0xb4: {  	p0 =	sne.s32 s4, $0x0;
	_ =	strace $0x9000004A  }
0xb5: {  	s0 =	sadd.s32 @!p0 $0x100000, s0;
	[bflag:$0x2] =	sbarrier.arrive $0xFFFF  }
0xb6: {  	[sflag:s0] =	ssyncadd.tile.s32 @!p0 $0x1;
	_ =	shalt  }
.Lfunc_end2:
_tile_overlayer_lowered:
.L_overlay_start_2:
0xb7: {  	(tag) =	ssettag $0x2  }
0xb8: {  	s0 =	rddreg [dreg:$0x0];
	s2 =	stileid.u32  }
0xb9: {  	s1 =	rddreg [dreg:$0x1];
	p0 =	sne.s32 s2, $0x0  }
0xba: {  	s3 =	rddreg [dreg:$0x2];
	[bflag:$0x3] =	sbarrier.arrive $0xFFFF;
	s2 =	simm.s32 @!p0 $0x1C03  }
0xbb: {  	[timem:s3], [sflag:s2] =	dma.local @!p0 [hbm:s0], s1  }
0xbc: {  	s0 =	simm.s32 @!p0 $0x3  }
0xbd: {  	_ =	swait.ge @!p0 [sflag:s0], s1  }
0xbe: {  	s1 =	ssub.s32 @!p0 $0x0, s1;
	[sflag:s0] =	ssyncset.done @!p0 $0x0  }
0xbf: {  	[sflag:s0] =	ssyncadd.s32 @!p0 s1  }
0xc0: {  	[bflag:$0x3] =	sbarrier.arrive $0xFFFF  }
0xc1: {  	_ =	shalt  }

// kernel: kernel.15.cloned.1.call-start
scs
__scs_entry_jumppad:
0x0: {  	(pc) =	sbr.rel $0x88, $3  }
0x1: {  	(tag) =	ssettag $0x0;
	lr =	simm.s32 $0x1  }
0x2: {  	[smem:$0x3F9D] =	sst lr;
	_ =	strace $0xD0000000  }
0x3: {  	_ = 	snop  }
0x4: {  	_ = 	snop  }
0x5: {  	_ = 	snop  }
0x6: {  	_ = 	snop  }
0x7: {  	_ = 	snop  }
__scs_overlays_trampoline_lowered:
0x8: {  	[smem:$0x3FAC] =	sst s0  }
0x9: {  	[smem:$0x3FAD] =	sst s1  }
0xa: {  	[smem:$0x3FAE] =	sst s2  }
0xb: {  	[smem:$0x3FAF] =	sst s3  }
0xc: {  	[smem:$0x3FB0] =	sst s4  }
0xd: {  	[smem:$0x3FB1] =	sst s5  }
0xe: {  	[smem:$0x3FB2] =	sst s6  }
0xf: {  	[smem:$0x3FB3] =	sst s7  }
0x10: {  	[smem:$0x3FB4] =	sst s8  }
0x11: {  	[smem:$0x3FB5] =	sst s9;
	s0 =	simm.s32 @!p0 $0x0  }
0x12: {  	s1 =	sld [smem:$0x3F9B];
	s0 =	simm.s32 @p0 $0x1  }
0x13: {  	[smem:$0x3FB6] =	sst s0;
	s0 =	simm.s32 @!p1 $0x0  }
0x14: {  	s2 =	sld [smem:$0x3F9A];
	s0 =	simm.s32 @p1 $0x1  }
0x15: {  	[smem:$0x3FB7] =	sst s0;
	s0 =	simm.s32 @!p2 $0x0  }
0x16: {  	s3 =	sld [smem:$0x3FDB];
	s0 =	simm.s32 @p2 $0x1  }
0x17: {  	s4 =	simm.s32 $0x1BF5;
	[smem:$0x3FB9] =	sst s0  }
0x18: {  	s0 =	sld [smem:$0x3F9C];
	_ =	swait.ge [sflag:s4], $0x0  }
0x19: {  	s7 =	sld [smem:$0x3F9D]  }
0x1a: {  	s8 =	sadd.s32 $0xFFFFE003, lr  }
0x1b: {  	s9 =	sadd.s32 $0xFFFFFEF7, lr;
	s5 =	simm.s32 $0xFFFFFFFF;
	p2 =	slt.u32 s8, $0xFFFFF086  }
0x1c: {  	p1 =	slt.u32 s9, $0xF7A;
	s5 =	simm.s32 @!p2 $0x0  }
0x1d: {  	s5 =	simm.s32 @p1 $0x1;
	p0 =	seq.s32 s7, s2  }
0x1e: {  	s7 =	smul.u32 @!p0 $0xF7A, s2;
	p2 =	seq.s32 @!p0 s5, $0x0  }
0x1f: {  	s9 =	smul.u32 $0xF7A, s1;
	s8 =	simm.s32 @!p0 $0x1BF5;
	p2 =	por !p2, p0  }
0x20: {  	[sflag:s8] =	ssyncset.s32 @!p0 $0xFFFFF086;
	s6 =	sadd.s32 @!p0 s3, s7;
	s7 =	simm.s32 @!p0 $0x108  }
0x21: {  	s3 =	sadd.s32 s3, s9;
	s6 =	sadd.s32 @!p0 $0x88, s6;
	s7 =	simm.s32 @p2 $0x1082  }
0x22: {  	[simem:s7], [sflag:s8] =	dma.local @!p0 [hbm:s6], $0xF7A  }
0x23: {  	s9 =	sor.u32 $0xD0000000, s2;
	s6 =	simm.s32 $0x108;
	_ =	swait.ge @!p0 [sflag:s8], $0x0  }
0x24: {  	s3 =	sadd.s32 $0x88, s3;
	s6 =	simm.s32 @!p1 $0x1082;
	[sflag:s4] =	ssyncset.s32 $0xFFFFF086  }
0x25: {  	[simem:s6], [sflag:s4] =	dma.local [hbm:s3], $0xF7A  }
0x26: {  	[smem:$0x3F9D] =	sst s1;
	(tag) =	ssettag s2;
	_ =	strace s9  }
0x27: {  	s1 =	sld [smem:$0x3FAD]  }
0x28: {  	s2 =	sld [smem:$0x3FAE]  }
0x29: {  	s4 =	sld [smem:$0x3FB0]  }
0x2a: {  	p0 =	seq.s32 s5, $0x0;
	s5 =	sld [smem:$0x3FB1]  }
0x2b: {  	s6 =	sld [smem:$0x3FB2]  }
0x2c: {  	s7 =	sld [smem:$0x3FB3]  }
0x2d: {  	s3 =	simm.s32 $0x108;
	s8 =	sld [smem:$0x3FB4]  }
0x2e: {  	s3 =	simm.s32 @!p0 $0x1082;
	s9 =	sld [smem:$0x3FB5]  }
0x2f: {  	lr =	sadd.s32 s0, s3;
	s0 =	sld [smem:$0x3FAC]  }
0x30: {  	s3 =	sld [smem:$0x3FAF]  }
0x31: {  	[smem:$0x3FB8] =	sst s10  }
0x32: {  	s10 =	sld [smem:$0x3FB6];
	_ =	sdelay $0x3  }
0x33: {  	p0 =	seq.s32 s10, $0x1;
	s10 =	sld [smem:$0x3FB8];
	_ =	sdelay $0x3  }
0x34: {  	[smem:$0x3FB8] =	sst s10  }
0x35: {  	s10 =	sld [smem:$0x3FB7];
	_ =	sdelay $0x3  }
0x36: {  	p1 =	seq.s32 s10, $0x1;
	s10 =	sld [smem:$0x3FB8];
	_ =	sdelay $0x3  }
0x37: {  	[smem:$0x3FB8] =	sst s10  }
0x38: {  	s10 =	sld [smem:$0x3FB9]  }
0x39: {  	_ = 	snop;
	(pc) =	sbr.ind lr, $3  }
0x3a: {  	_ = 	snop  }
0x3b: {  	_ = 	snop  }
0x3c: {  	p2 =	seq.s32 s10, $0x1;
	s10 =	sld [smem:$0x3FB8]  }
0x3d: {  	_ =	shalt  }
0x3e: {  	_ =	shalt  }
0x3f: {  	_ =	shalt  }
0x40: {  	_ =	shalt  }
0x41: {  	_ =	shalt  }
0x42: {  	_ =	shalt  }
0x43: {  	_ =	shalt  }
0x44: {  	_ =	shalt  }
0x45: {  	_ =	shalt  }
0x46: {  	_ =	shalt  }
0x47: {  	_ =	shalt  }
0x48: {  	_ =	shalt  }
0x49: {  	_ =	shalt  }
0x4a: {  	_ =	shalt  }
0x4b: {  	_ =	shalt  }
0x4c: {  	_ =	shalt  }
0x4d: {  	_ =	shalt  }
0x4e: {  	_ =	shalt  }
0x4f: {  	_ =	shalt  }
0x50: {  	_ =	shalt  }
0x51: {  	_ =	shalt  }
0x52: {  	_ =	shalt  }
0x53: {  	_ =	shalt  }
0x54: {  	_ =	shalt  }
0x55: {  	_ =	shalt  }
0x56: {  	_ =	shalt  }
0x57: {  	_ =	shalt  }
0x58: {  	_ =	shalt  }
0x59: {  	_ =	shalt  }
0x5a: {  	_ =	shalt  }
0x5b: {  	_ =	shalt  }
0x5c: {  	_ =	shalt  }
0x5d: {  	_ =	shalt  }
0x5e: {  	_ =	shalt  }
0x5f: {  	_ =	shalt  }
0x60: {  	_ =	shalt  }
0x61: {  	_ =	shalt  }
0x62: {  	_ =	shalt  }
0x63: {  	_ =	shalt  }
0x64: {  	_ =	shalt  }
0x65: {  	_ =	shalt  }
0x66: {  	_ =	shalt  }
0x67: {  	_ =	shalt  }
0x68: {  	_ =	shalt  }
0x69: {  	_ =	shalt  }
0x6a: {  	_ =	shalt  }
0x6b: {  	_ =	shalt  }
0x6c: {  	_ =	shalt  }
0x6d: {  	_ =	shalt  }
0x6e: {  	_ =	shalt  }
0x6f: {  	_ =	shalt  }
0x70: {  	_ =	shalt  }
0x71: {  	_ =	shalt  }
0x72: {  	_ =	shalt  }
0x73: {  	_ =	shalt  }
0x74: {  	_ =	shalt  }
0x75: {  	_ =	shalt  }
0x76: {  	_ =	shalt  }
0x77: {  	_ =	shalt  }
0x78: {  	_ =	shalt  }
0x79: {  	_ =	shalt  }
0x7a: {  	_ =	shalt  }
0x7b: {  	_ =	shalt  }
0x7c: {  	_ =	shalt  }
0x7d: {  	_ =	shalt  }
0x7e: {  	_ =	shalt  }
0x7f: {  	_ =	shalt  }
0x80: {  	_ =	shalt  }
0x81: {  	_ =	shalt  }
0x82: {  	_ =	shalt  }
0x83: {  	_ =	shalt  }
0x84: {  	_ =	shalt  }
0x85: {  	_ =	shalt  }
0x86: {  	_ =	shalt  }
0x87: {  	_ =	shalt  }
.Lfunc_end0:
.L_simem_size_0:
called_computation.2_lowered:
.L_overlay_start_0:
0x88: {  	s2 =	sld [smem:$0x3FD9]  }
0x89: {  	s3 =	sld [smem:$0x3FFE];
	_ =	sdelay $0x1  }
0x8a: {  	s1 =	srdreg.scid  }
0x8b: {  	s0 =	sand.u32 $0x1, s1  }
0x8c: {  	s17 =	sshll.u32 s0, $0xA;
	s2 =	sadd.s32 s3, s2  }
0x8d: {  	s2 =	sadd.s32 s2, s17  }
0x8e: {  	[smem:$0x3FC4] =	sst s2  }
0x8f: {  	_ = 	snop  }
0x90: {  	s2 =	sld [smem:$0x3FD0];
	(tm) =	ssettm $0x1  }
0x91: {  	s18 =	sld [smem:$0x3FFB];
	_ =	sdelay $0x3  }
0x92: {  	_ =	strace s18  }
0x93: {  	s3 =	sld [smem:$0x3FFC];
	_ =	sdelay $0x3  }
0x94: {  	_ =	strace s3  }
0x95: {  	s3 =	sld [smem:$0x3FFD];
	_ =	sdelay $0x3  }
0x96: {  	_ =	strace s3  }
0x97: {  	_ =	strace $0x8FFFFFFF  }
0x98: {  	s19 =	sld [smem:$0x3FDB];
	_ =	sdelay $0x1  }
0x99: {  	s4 =	simm.s32 $_scs_section_size  }
0x9a: {  	s5 =	simm.s32 $_size__tile_overlayer_lowered;
	s6 =	simm.s32 $_tile_overlayer_lowered  }
0x9b: {  	s22 =	simm.s32 $0x1BFF;
	s21 =	sshll.u32 s6, $0x1;
	s3 =	sadd.s32 s4, s19  }
0x9c: {  	s7 =	simm.s32 $0x0;
	s20 =	sshll.u32 s5, $0x1;
	s5 =	sadd.s32 s21, s3  }
0x9d: {  	[timem:s7], [sflag:s22] =	dma.local [hbm:s5], s20  }
0x9e: {  	_ =	swait.ge [sflag:s22], s20  }
0x9f: {  	s4 =	ssub.s32 $0x0, s20;
	[sflag:s22] =	ssyncset.done $0x0  }
0xa0: {  	[sflag:s22] =	ssyncadd.s32 s4;
	_ =	sdelay $0x1  }
0xa1: {  	s23 =	simm.s32 $0x1B8B  }
0xa2: {  	_ =	swait.ge [sflag:s23], $0x1  }
0xa3: {  	[sflag:s23] =	ssyncset.done $0x0  }
0xa4: {  	s25 =	simm.s32 $0x1B8E;
	s24 =	sld [smem:$0x3FFE];
	[sflag:s23] =	ssyncadd.s32 $0xFFFFFFFF  }
0xa5: {  	s26 =	simm.s32 $execute0_lowered;
	[smem:$0x3FD2] =	sst s25  }
0xa6: {  	s5 =	sshll.u32 s26, $0x1;
	_ =	strace $0x8000004C;
	[dreg:$0x1] =	wrdreg $0xFFFFFFFF  }
0xa7: {  	s28 =	simm.s32 $_size_execute0_lowered;
	s3 =	sadd.s32 s3, s5;
	[dreg:$0x0] =	wrdreg $0x0  }
0xa8: {  	s5 =	sshll.u32 s28, $0x1;
	[dreg:$0x2] =	wrdreg s3  }
0xa9: {  	[dreg:$0x3] =	wrdreg s5  }
0xaa: {  	[dreg:$0x4] =	wrdreg $0xC0  }
0xab: {  	_ =	task [dreg:s7], $0x5FFFF  }
0xac: {  	[dreg:$0x1] =	wrdreg $0xFFFFFFFF  }
0xad: {  	[dreg:$0x0] =	wrdreg $0x60  }
0xae: {  	[dreg:$0x2] =	wrdreg s2  }
0xaf: {  	[dreg:$0x3] =	wrdreg s24  }
0xb0: {  	[dreg:$0x4] =	wrdreg $0xA8000  }
0xb1: {  	[dreg:$0x5] =	wrdreg $0x9  }
0xb2: {  	_ =	task.clear_ibuf [dreg:s7], $0x6FFFF;
	_ =	strace $0x9000004C  }
0xb3: {  	s29 =	simm.s32 $0x9;
	_ =	strace $0x8000004E  }
0xb4: {  	_ =	swait.ge [sflag:s29], $0x1  }
0xb5: {  	[sflag:s29] =	ssyncadd.s32 $0xFFFFFFFF  }
0xb6: {  	_ =	strace $0x9000004E  }
0xb7: {  	_ =	sfence  }
0xb8: {  	s30 =	sld [smem:$0x0];
	_ =	sdelay $0x2  }
0xb9: {  	s31 =	sshll.u32 s1, $0xD;
	s1 =	sshrl.u32 s1, $0x2  }
0xba: {  	s3 =	sand.u32 $0x4000, s31;
	s1 =	sadd.s32 s1, s30  }
0xbb: {  	s0 =	sor.u32 s3, s0;
	s1 =	sshll.u32 s1, $0x11  }
0xbc: {  	s0 =	sor.u32 s1, s0  }
0xbd: {  	s0 =	sadd.s32 $0x8F2B, s0  }
0xbe: {  	[sflag:s0] =	ssyncadd.remote.s32 $0x1  }
0xbf: {  	_ =	sfence.sel $0xFFFF  }
0xc0: {  	[dreg:$0x0] =	wrdreg $0xFFFFFFFF;
	(pc) =	sbr.abs _section_cstart, $3  }
0xc1: {  	[dreg:$0x1] =	wrdreg $0xFFFFFFFF  }
0xc2: {  	_ =	task.clear_ibuf [dreg:s7], $0x2FFFF;
	_ =	strace $0x9FFFFFFF  }
0xc3: {  	(tm) =	ssettm $0x7FFFFFFF  }
tec
execute0_lowered:
.L_overlay_start_1:
0x0: {  	(tag) =	ssettag $0x1  }
0x1: {  	s1 =	rddreg [dreg:$0x0]  }
0x2: {  	s10 =	rddreg [dreg:$0x1]  }
0x3: {  	s2 =	rddreg [dreg:$0x2]  }
0x4: {  	s0 =	rddreg [dreg:$0x3];
	s3 =	simm.s32 $0x0  }
0x5: {  	s4 =	srdreg.scid;
	s16 =	simm.s32 $0x69400;
	s18 =	simm.s32 $0x6800  }
0x6: {  	s19 =	simm.s32 $0x1;
	s20 =	simm.s32 $0x2;
	s21 =	simm.s32 $0x1380  }
0x7: {  	s22 =	simm.s32 $0x2700;
	s23 =	simm.s32 $0x2780;
	s24 =	simm.s32 $0x0  }
0x8: {  	[smem:$0x7FF] =	sst s3;
	s9 =	sadd.s32 $0xDA00, s10;
	s11 =	sadd.s32 $0x3600, s10  }
0x9: {  	s8 =	sand.u32 $0x1, s4;
	s4 =	stileid.u32;
	_ =	strace $0x8000004D  }
0xa: {  	s6 =	ssub.s32 $0x2, s8;
	s5 =	sshll.u32 s8, $0x4;
	s13 =	smul.u32 $0x50000, s4  }
0xb: {  	s30 =	sshll.u32 s4, $0x6;
	p0 =	seq.s32 s8, $0x1;
	s17 =	smul.u32 $0x2800, s4  }
0xc: {  	s7 =	sshrl.u32 s6, $0x1;
	s12 =	sor.u32 s4, s5;
	s5 =	sadd.s32 $0x3EC00, s10  }
0xd: {  	s16 =	simm.s32 @!p0 $0x41400;
	s14 =	ssub.s32 s6, s7;
	s15 =	smul.u32 $0x500, s12  }
0xe: {  	s29 =	sshrl.u32 s13, $0x2;
	s12 =	smul.u32 $0x2800, s12;
	s6 =	sor.u32 $0x1C03, s30  }
0xf: {  	s31 =	sadd.s32 s16, s10;
	s16 =	simm.s32 $0x7D;
	s13 =	sadd.s32 s29, s2  }
0x10: {  	s7 =	sadd.s32 s9, s15;
	s12 =	sshrl.u32 s12, $0x3;
	s8 =	sadd.s32 s11, s15  }
0x11: {  	s13 =	sshrl.u32 s13, $0x3;
	s15 =	simm.s32 $0x1400;
	s12 =	sadd.s32 $0x280, s12  }
0x12: {  	s9 =	sadd.s32 s9, s12;
	s10 =	sadd.s32 s11, s12;
	s11 =	smax.u32 s14, $0x1  }
0x13: {  	s12 =	sadd.s32 s31, s17;
	s14 =	simm.s32 $0x3;
	s17 =	simm.s32 $0x2800  }
.LBB2_1:
0x14: {  	[spmem:s13], [sflag:s6] =	dma.local [hbm:s5], $0x2800  }
0x15: {  	_ =	swait.ge [sflag:s14], $0x2800  }
0x16: {  	[sflag:s14] =	ssyncset.done $0x0  }
0x17: {  	[sflag:s14] =	ssyncadd.s32 $0xFFFFD800  }
0x18: {  	[bflag:$0x0] =	sbarrier.arrive $0xFFFF  }
0x19: {  	[tilespmem:s3], [sflag:$0x3] =	stream.linear.gather [hbm4b:s7+s3], $0x1400, $0x38;
	[tilespmem:$0x1E800] =	vst v63  }
0x1a: {  	_ =	swait.ge [sflag:s14], $0x1400  }
0x1b: {  	[sflag:s14] =	ssyncset.done $0x0  }
0x1c: {  	[sflag:s14] =	ssyncadd.s32 $0xFFFFEC00  }
0x1d: {  	[tilespmem:s15], [sflag:$0x3] =	stream.linear.gather [hbm4b:s8+s3], $0x1400, $0x38;
	[tilespmem:$0x1E800] =	vst v63  }
0x1e: {  	_ =	swait.ge [sflag:s14], $0x1400  }
0x1f: {  	[sflag:s14] =	ssyncset.done $0x0  }
0x20: {  	[sflag:s14] =	ssyncadd.s32 $0xFFFFEC00  }
0x21: {  	[tilespmem:s17], [sflag:$0x1] =	stream.indirect.gather [hbm4b:s1+s16], $0x80, s3, s16, $0xb8;
	[tilespmem:$0x1E800] =	vst v63  }
0x22: {  	s25 =	simm.s32 $0x80  }
0x23: {  	[tilespmem:s18], [sflag:$0x2] =	stream.indirect.gather [hbm4b:s1+s16], $0x80, s25, s16, $0xb8;
	[tilespmem:$0x1E800] =	vst v63  }
0x24: {  	_ =	swait.ge [sflag:s19], $0x3E80  }
0x25: {  	[sflag:s19] =	ssyncset.done $0x0  }
0x26: {  	s29 =	simm.s32 $0x1400;
	[sflag:s19] =	ssyncadd.s32 $0xFFFFC180  }
0x27: {  	[spmem:s2] =	stream.indirect.scatter.add.f32 [tilespmem:s17], [sflag:$0x3], $0x80, s29, s16, $0xb8;
	[tilespmem:$0x1E800] =	vst v63  }
0x28: {  	_ =	swait.ge [sflag:s14], $0x3E80  }
0x29: {  	[sflag:s14] =	ssyncset.done $0x0  }
0x2a: {  	s30 =	simm.s32 $0x100;
	[sflag:s14] =	ssyncadd.s32 $0xFFFFC180  }
0x2b: {  	[tilespmem:s17], [sflag:$0x1] =	stream.indirect.gather [hbm4b:s1+s16], $0x80, s30, s16, $0xb8;
	[tilespmem:$0x1E800] =	vst v63  }
0x2c: {  	_ =	swait.ge [sflag:s20], $0x3E80  }
0x2d: {  	[sflag:s20] =	ssyncset.done $0x0  }
0x2e: {  	s31 =	simm.s32 $0x1480;
	[sflag:s20] =	ssyncadd.s32 $0xFFFFC180  }
0x2f: {  	[spmem:s2] =	stream.indirect.scatter.add.f32 [tilespmem:s18], [sflag:$0x3], $0x80, s31, s16, $0xb8;
	[tilespmem:$0x1E800] =	vst v63  }
0x30: {  	_ =	swait.ge [sflag:s14], $0x3E80  }
0x31: {  	s26 =	simm.s32 $0x800;
	s25 =	simm.s32 $0x100;
	[sflag:s14] =	ssyncset.done $0x0  }
.LBB2_2:
0x32: {  	s28 =	sadd.s32 $0x80, s25  }
0x33: {  	[sflag:s14] =	ssyncadd.s32 $0xFFFFC180;
	s29 =	smov.u32 s26;
	s30 =	sadd.s32 $0x400, s26  }
0x34: {  	[tilespmem:s18], [sflag:$0x2] =	stream.indirect.gather [hbm4b:s1+s16], $0x80, s28, s16, $0xb8;
	[tilespmem:$0x1E800] =	vst v63  }
0x35: {  	p0 =	sne.s32 s26, $0x4800;
	_ =	swait.ge [sflag:s19], $0x3E80  }
0x36: {  	[sflag:s19] =	ssyncset.done $0x0  }
0x37: {  	s26 =	sadd.s32 $0x1400, s25;
	[sflag:s19] =	ssyncadd.s32 $0xFFFFC180  }
0x38: {  	[spmem:s2] =	stream.indirect.scatter.add.f32 [tilespmem:s17], [sflag:$0x3], $0x80, s26, s16, $0xb8;
	[tilespmem:$0x1E800] =	vst v63  }
0x39: {  	_ =	swait.ge [sflag:s14], $0x3E80  }
0x3a: {  	[sflag:s14] =	ssyncset.done $0x0  }
0x3b: {  	s26 =	sadd.s32 $0x100, s25;
	[sflag:s14] =	ssyncadd.s32 $0xFFFFC180  }
0x3c: {  	[tilespmem:s17], [sflag:$0x1] =	stream.indirect.gather [hbm4b:s1+s16], $0x80, s26, s16, $0xb8;
	[tilespmem:$0x1E800] =	vst v63  }
0x3d: {  	_ =	swait.ge [sflag:s20], $0x3E80  }
.Ltmp0:
0x3e: {  	[sflag:s20] =	ssyncset.done $0x0;
	(pc) =	sbr.rel @p0 .LBB2_2-.Ltmp0, $4  }
0x3f: {  	s25 =	sadd.s32 $0x1480, s25;
	[sflag:s20] =	ssyncadd.s32 $0xFFFFC180  }
0x40: {  	[spmem:s2] =	stream.indirect.scatter.add.f32 [tilespmem:s18], [sflag:$0x3], $0x80, s25, s16, $0xb8;
	[tilespmem:$0x1E800] =	vst v63  }
0x41: {  	_ =	swait.ge [sflag:s14], $0x3E80  }
0x42: {  	s26 =	smov.u32 s30;
	s25 =	sshra.s32 s29, $0x2;
	[sflag:s14] =	ssyncset.done $0x0  }
0x43: {  	s26 =	sadd.s32 $0x80, s25;
	[sflag:s14] =	ssyncadd.s32 $0xFFFFC180  }
0x44: {  	[tilespmem:s18], [sflag:$0x2] =	stream.indirect.gather [hbm4b:s1+s16], $0x80, s26, s16, $0xb8;
	[tilespmem:$0x1E800] =	vst v63  }
0x45: {  	_ =	swait.ge [sflag:s19], $0x3E80  }
0x46: {  	[sflag:s19] =	ssyncset.done $0x0  }
0x47: {  	s29 =	sadd.s32 $0x1400, s25;
	[sflag:s19] =	ssyncadd.s32 $0xFFFFC180  }
0x48: {  	[spmem:s2] =	stream.indirect.scatter.add.f32 [tilespmem:s17], [sflag:$0x3], $0x80, s29, s16, $0xb8;
	[tilespmem:$0x1E800] =	vst v63  }
0x49: {  	_ =	swait.ge [sflag:s14], $0x3E80  }
0x4a: {  	[sflag:s14] =	ssyncset.done $0x0  }
0x4b: {  	s30 =	sadd.s32 $0x100, s25;
	[sflag:s14] =	ssyncadd.s32 $0xFFFFC180  }
0x4c: {  	[tilespmem:s17], [sflag:$0x1] =	stream.indirect.gather [hbm4b:s1+s16], $0x80, s30, s16, $0xb8;
	[tilespmem:$0x1E800] =	vst v63  }
0x4d: {  	_ =	swait.ge [sflag:s20], $0x3E80  }
0x4e: {  	[sflag:s20] =	ssyncset.done $0x0  }
0x4f: {  	s31 =	sadd.s32 $0x1480, s25;
	[sflag:s20] =	ssyncadd.s32 $0xFFFFC180  }
0x50: {  	[spmem:s2] =	stream.indirect.scatter.add.f32 [tilespmem:s18], [sflag:$0x3], $0x80, s31, s16, $0xb8;
	[tilespmem:$0x1E800] =	vst v63  }
0x51: {  	_ =	swait.ge [sflag:s14], $0x3E80  }
0x52: {  	[sflag:s14] =	ssyncset.done $0x0  }
0x53: {  	[sflag:s14] =	ssyncadd.s32 $0xFFFFC180  }
0x54: {  	[tilespmem:s18], [sflag:$0x2] =	stream.indirect.gather [hbm4b:s1+s16], $0x80, s21, s16, $0xb8;
	[tilespmem:$0x1E800] =	vst v63  }
0x55: {  	_ =	swait.ge [sflag:s19], $0x3E80  }
0x56: {  	[sflag:s19] =	ssyncset.done $0x0  }
0x57: {  	[sflag:s19] =	ssyncadd.s32 $0xFFFFC180  }
0x58: {  	[spmem:s2] =	stream.indirect.scatter.add.f32 [tilespmem:s17], [sflag:$0x3], $0x80, s22, s16, $0xb8;
	[tilespmem:$0x1E800] =	vst v63  }
0x59: {  	_ =	swait.ge [sflag:s14], $0x3E80  }
0x5a: {  	[sflag:s14] =	ssyncset.done $0x0  }
0x5b: {  	[sflag:s14] =	ssyncadd.s32 $0xFFFFC180  }
0x5c: {  	_ =	swait.ge [sflag:s20], $0x3E80  }
0x5d: {  	[sflag:s20] =	ssyncset.done $0x0  }
0x5e: {  	[sflag:s20] =	ssyncadd.s32 $0xFFFFC180  }
0x5f: {  	[spmem:s2] =	stream.indirect.scatter.add.f32 [tilespmem:s18], [sflag:$0x3], $0x80, s23, s16, $0xb8;
	[tilespmem:$0x1E800] =	vst v63  }
0x60: {  	_ =	swait.ge [sflag:s14], $0x3E80  }
0x61: {  	[sflag:s14] =	ssyncset.done $0x0  }
0x62: {  	s26 =	simm.s32 $0x0;
	[sflag:s14] =	ssyncadd.s32 $0xFFFFC180  }
0x63: {  	[tilespmem:s26], [sflag:$0x3] =	stream.linear.gather [hbm4b:s9+s26], $0x1400, $0x38;
	[tilespmem:$0x1E800] =	vst v63  }
0x64: {  	_ =	swait.ge [sflag:s14], $0x1400  }
0x65: {  	[sflag:s14] =	ssyncset.done $0x0  }
0x66: {  	[sflag:s14] =	ssyncadd.s32 $0xFFFFEC00  }
0x67: {  	[tilespmem:s15], [sflag:$0x3] =	stream.linear.gather [hbm4b:s10+s26], $0x1400, $0x38;
	[tilespmem:$0x1E800] =	vst v63  }
0x68: {  	_ =	swait.ge [sflag:s14], $0x1400  }
0x69: {  	[sflag:s14] =	ssyncset.done $0x0  }
0x6a: {  	[sflag:s14] =	ssyncadd.s32 $0xFFFFEC00  }
0x6b: {  	[tilespmem:s17], [sflag:$0x1] =	stream.indirect.gather [hbm4b:s1+s16], $0x80, s26, s16, $0xb8;
	[tilespmem:$0x1E800] =	vst v63  }
0x6c: {  	s28 =	simm.s32 $0x80  }
0x6d: {  	[tilespmem:s18], [sflag:$0x2] =	stream.indirect.gather [hbm4b:s1+s16], $0x80, s28, s16, $0xb8;
	[tilespmem:$0x1E800] =	vst v63  }
0x6e: {  	_ =	swait.ge [sflag:s19], $0x3E80  }
0x6f: {  	[sflag:s19] =	ssyncset.done $0x0  }
0x70: {  	s29 =	simm.s32 $0x1400;
	[sflag:s19] =	ssyncadd.s32 $0xFFFFC180  }
0x71: {  	[spmem:s2] =	stream.indirect.scatter.add.f32 [tilespmem:s17], [sflag:$0x3], $0x80, s29, s16, $0xb8;
	[tilespmem:$0x1E800] =	vst v63  }
0x72: {  	_ =	swait.ge [sflag:s14], $0x3E80  }
0x73: {  	[sflag:s14] =	ssyncset.done $0x0  }
0x74: {  	s30 =	simm.s32 $0x100;
	[sflag:s14] =	ssyncadd.s32 $0xFFFFC180  }
0x75: {  	[tilespmem:s17], [sflag:$0x1] =	stream.indirect.gather [hbm4b:s1+s16], $0x80, s30, s16, $0xb8;
	[tilespmem:$0x1E800] =	vst v63  }
0x76: {  	_ =	swait.ge [sflag:s20], $0x3E80  }
0x77: {  	[sflag:s20] =	ssyncset.done $0x0  }
0x78: {  	s31 =	simm.s32 $0x1480;
	[sflag:s20] =	ssyncadd.s32 $0xFFFFC180  }
0x79: {  	[spmem:s2] =	stream.indirect.scatter.add.f32 [tilespmem:s18], [sflag:$0x3], $0x80, s31, s16, $0xb8;
	[tilespmem:$0x1E800] =	vst v63  }
0x7a: {  	_ =	swait.ge [sflag:s14], $0x3E80  }
0x7b: {  	s25 =	simm.s32 $0x100;
	s26 =	simm.s32 $0x800;
	[sflag:s14] =	ssyncset.done $0x0  }
.LBB2_4:
0x7c: {  	s28 =	sadd.s32 $0x80, s25  }
0x7d: {  	[sflag:s14] =	ssyncadd.s32 $0xFFFFC180;
	s29 =	smov.u32 s26;
	s30 =	sadd.s32 $0x400, s26  }
0x7e: {  	[tilespmem:s18], [sflag:$0x2] =	stream.indirect.gather [hbm4b:s1+s16], $0x80, s28, s16, $0xb8;
	[tilespmem:$0x1E800] =	vst v63  }
0x7f: {  	p0 =	sne.s32 s26, $0x4800;
	_ =	swait.ge [sflag:s19], $0x3E80  }
0x80: {  	[sflag:s19] =	ssyncset.done $0x0  }
0x81: {  	s26 =	sadd.s32 $0x1400, s25;
	[sflag:s19] =	ssyncadd.s32 $0xFFFFC180  }
0x82: {  	[spmem:s2] =	stream.indirect.scatter.add.f32 [tilespmem:s17], [sflag:$0x3], $0x80, s26, s16, $0xb8;
	[tilespmem:$0x1E800] =	vst v63  }
0x83: {  	_ =	swait.ge [sflag:s14], $0x3E80  }
0x84: {  	[sflag:s14] =	ssyncset.done $0x0  }
0x85: {  	s26 =	sadd.s32 $0x100, s25;
	[sflag:s14] =	ssyncadd.s32 $0xFFFFC180  }
0x86: {  	[tilespmem:s17], [sflag:$0x1] =	stream.indirect.gather [hbm4b:s1+s16], $0x80, s26, s16, $0xb8;
	[tilespmem:$0x1E800] =	vst v63  }
0x87: {  	_ =	swait.ge [sflag:s20], $0x3E80  }
.Ltmp1:
0x88: {  	[sflag:s20] =	ssyncset.done $0x0;
	(pc) =	sbr.rel @p0 .LBB2_4-.Ltmp1, $4  }
0x89: {  	s25 =	sadd.s32 $0x1480, s25;
	[sflag:s20] =	ssyncadd.s32 $0xFFFFC180  }
0x8a: {  	[spmem:s2] =	stream.indirect.scatter.add.f32 [tilespmem:s18], [sflag:$0x3], $0x80, s25, s16, $0xb8;
	[tilespmem:$0x1E800] =	vst v63  }
0x8b: {  	_ =	swait.ge [sflag:s14], $0x3E80  }
0x8c: {  	s26 =	smov.u32 s30;
	s25 =	sshra.s32 s29, $0x2;
	[sflag:s14] =	ssyncset.done $0x0  }
0x8d: {  	s26 =	sadd.s32 $0x80, s25;
	[sflag:s14] =	ssyncadd.s32 $0xFFFFC180  }
0x8e: {  	[tilespmem:s18], [sflag:$0x2] =	stream.indirect.gather [hbm4b:s1+s16], $0x80, s26, s16, $0xb8;
	[tilespmem:$0x1E800] =	vst v63  }
0x8f: {  	_ =	swait.ge [sflag:s19], $0x3E80  }
0x90: {  	[sflag:s19] =	ssyncset.done $0x0  }
0x91: {  	s29 =	sadd.s32 $0x1400, s25;
	[sflag:s19] =	ssyncadd.s32 $0xFFFFC180  }
0x92: {  	[spmem:s2] =	stream.indirect.scatter.add.f32 [tilespmem:s17], [sflag:$0x3], $0x80, s29, s16, $0xb8;
	[tilespmem:$0x1E800] =	vst v63  }
0x93: {  	_ =	swait.ge [sflag:s14], $0x3E80  }
0x94: {  	[sflag:s14] =	ssyncset.done $0x0  }
0x95: {  	s30 =	sadd.s32 $0x100, s25;
	[sflag:s14] =	ssyncadd.s32 $0xFFFFC180  }
0x96: {  	[tilespmem:s17], [sflag:$0x1] =	stream.indirect.gather [hbm4b:s1+s16], $0x80, s30, s16, $0xb8;
	[tilespmem:$0x1E800] =	vst v63  }
0x97: {  	_ =	swait.ge [sflag:s20], $0x3E80  }
0x98: {  	[sflag:s20] =	ssyncset.done $0x0  }
0x99: {  	s31 =	sadd.s32 $0x1480, s25;
	[sflag:s20] =	ssyncadd.s32 $0xFFFFC180  }
0x9a: {  	[spmem:s2] =	stream.indirect.scatter.add.f32 [tilespmem:s18], [sflag:$0x3], $0x80, s31, s16, $0xb8;
	[tilespmem:$0x1E800] =	vst v63  }
0x9b: {  	_ =	swait.ge [sflag:s14], $0x3E80  }
0x9c: {  	[sflag:s14] =	ssyncset.done $0x0  }
0x9d: {  	[sflag:s14] =	ssyncadd.s32 $0xFFFFC180  }
0x9e: {  	[tilespmem:s18], [sflag:$0x2] =	stream.indirect.gather [hbm4b:s1+s16], $0x80, s21, s16, $0xb8;
	[tilespmem:$0x1E800] =	vst v63  }
0x9f: {  	_ =	swait.ge [sflag:s19], $0x3E80  }
0xa0: {  	[sflag:s19] =	ssyncset.done $0x0  }
0xa1: {  	[sflag:s19] =	ssyncadd.s32 $0xFFFFC180  }
0xa2: {  	[spmem:s2] =	stream.indirect.scatter.add.f32 [tilespmem:s17], [sflag:$0x3], $0x80, s22, s16, $0xb8;
	[tilespmem:$0x1E800] =	vst v63  }
0xa3: {  	_ =	swait.ge [sflag:s14], $0x3E80  }
0xa4: {  	[sflag:s14] =	ssyncset.done $0x0  }
0xa5: {  	[sflag:s14] =	ssyncadd.s32 $0xFFFFC180  }
0xa6: {  	_ =	swait.ge [sflag:s20], $0x3E80  }
0xa7: {  	[sflag:s20] =	ssyncset.done $0x0  }
0xa8: {  	[sflag:s20] =	ssyncadd.s32 $0xFFFFC180  }
0xa9: {  	[spmem:s2] =	stream.indirect.scatter.add.f32 [tilespmem:s18], [sflag:$0x3], $0x80, s23, s16, $0xb8;
	[tilespmem:$0x1E800] =	vst v63  }
0xaa: {  	_ =	swait.ge [sflag:s14], $0x3E80  }
0xab: {  	s24 =	sadd.s32 $0x1, s24;
	[sflag:s14] =	ssyncset.done $0x0  }
0xac: {  	p0 =	sne.s32 s24, s11;
	[sflag:s14] =	ssyncadd.s32 $0xFFFFC180  }
.Ltmp2:
0xad: {  	[bflag:$0x0] =	sbarrier.arrive $0xFFFF;
	(pc) =	sbr.rel @p0 .LBB2_1-.Ltmp2, $4  }
0xae: {  	[hbm:s12], [sflag:s6] =	dma.local [spmem:s13], $0x2800  }
0xaf: {  	_ =	swait.ge [sflag:s14], $0x2800  }
0xb0: {  	[sflag:s14] =	ssyncset.done $0x0  }
0xb1: {  	[sflag:s14] =	ssyncadd.s32 $0xFFFFD800  }
0xb2: {  	_ =	sfence.sel $0x180000  }
0xb3: {  	[bflag:$0x0] =	sbarrier.arrive $0xFFFF  }
0xb4: {  	p0 =	sne.s32 s4, $0x0;
	_ =	strace $0x9000004D  }
0xb5: {  	s0 =	sadd.s32 @!p0 $0x100000, s0;
	[bflag:$0x2] =	sbarrier.arrive $0xFFFF  }
0xb6: {  	[sflag:s0] =	ssyncadd.tile.s32 @!p0 $0x1;
	_ =	shalt  }
.Lfunc_end2:
_tile_overlayer_lowered:
.L_overlay_start_2:
0xb7: {  	(tag) =	ssettag $0x2  }
0xb8: {  	s0 =	rddreg [dreg:$0x0];
	s2 =	stileid.u32  }
0xb9: {  	s1 =	rddreg [dreg:$0x1];
	p0 =	sne.s32 s2, $0x0  }
0xba: {  	s3 =	rddreg [dreg:$0x2];
	[bflag:$0x3] =	sbarrier.arrive $0xFFFF;
	s2 =	simm.s32 @!p0 $0x1C03  }
0xbb: {  	[timem:s3], [sflag:s2] =	dma.local @!p0 [hbm:s0], s1  }
0xbc: {  	s0 =	simm.s32 @!p0 $0x3  }
0xbd: {  	_ =	swait.ge @!p0 [sflag:s0], s1  }
0xbe: {  	s1 =	ssub.s32 @!p0 $0x0, s1;
	[sflag:s0] =	ssyncset.done @!p0 $0x0  }
0xbf: {  	[sflag:s0] =	ssyncadd.s32 @!p0 s1  }
0xc0: {  	[bflag:$0x3] =	sbarrier.arrive $0xFFFF  }
0xc1: {  	_ =	shalt  }

// kernel: kernel.9.cloned.1.call-start
scs
__scs_entry_jumppad:
0x0: {  	(pc) =	sbr.rel $0x88, $3  }
0x1: {  	(tag) =	ssettag $0x0;
	lr =	simm.s32 $0x1  }
0x2: {  	[smem:$0x3F9D] =	sst lr;
	_ =	strace $0xD0000000  }
0x3: {  	_ = 	snop  }
0x4: {  	_ = 	snop  }
0x5: {  	_ = 	snop  }
0x6: {  	_ = 	snop  }
0x7: {  	_ = 	snop  }
__scs_overlays_trampoline_lowered:
0x8: {  	[smem:$0x3FAC] =	sst s0  }
0x9: {  	[smem:$0x3FAD] =	sst s1  }
0xa: {  	[smem:$0x3FAE] =	sst s2  }
0xb: {  	[smem:$0x3FAF] =	sst s3  }
0xc: {  	[smem:$0x3FB0] =	sst s4  }
0xd: {  	[smem:$0x3FB1] =	sst s5  }
0xe: {  	[smem:$0x3FB2] =	sst s6  }
0xf: {  	[smem:$0x3FB3] =	sst s7  }
0x10: {  	[smem:$0x3FB4] =	sst s8  }
0x11: {  	[smem:$0x3FB5] =	sst s9;
	s0 =	simm.s32 @!p0 $0x0  }
0x12: {  	s1 =	sld [smem:$0x3F9B];
	s0 =	simm.s32 @p0 $0x1  }
0x13: {  	[smem:$0x3FB6] =	sst s0;
	s0 =	simm.s32 @!p1 $0x0  }
0x14: {  	s2 =	sld [smem:$0x3F9A];
	s0 =	simm.s32 @p1 $0x1  }
0x15: {  	[smem:$0x3FB7] =	sst s0;
	s0 =	simm.s32 @!p2 $0x0  }
0x16: {  	s3 =	sld [smem:$0x3FDB];
	s0 =	simm.s32 @p2 $0x1  }
0x17: {  	s4 =	simm.s32 $0x1BF5;
	[smem:$0x3FB9] =	sst s0  }
0x18: {  	s0 =	sld [smem:$0x3F9C];
	_ =	swait.ge [sflag:s4], $0x0  }
0x19: {  	s7 =	sld [smem:$0x3F9D]  }
0x1a: {  	s8 =	sadd.s32 $0xFFFFE003, lr  }
0x1b: {  	s9 =	sadd.s32 $0xFFFFFEF7, lr;
	s5 =	simm.s32 $0xFFFFFFFF;
	p2 =	slt.u32 s8, $0xFFFFF086  }
0x1c: {  	p1 =	slt.u32 s9, $0xF7A;
	s5 =	simm.s32 @!p2 $0x0  }
0x1d: {  	s5 =	simm.s32 @p1 $0x1;
	p0 =	seq.s32 s7, s2  }
0x1e: {  	s7 =	smul.u32 @!p0 $0xF7A, s2;
	p2 =	seq.s32 @!p0 s5, $0x0  }
0x1f: {  	s9 =	smul.u32 $0xF7A, s1;
	s8 =	simm.s32 @!p0 $0x1BF5;
	p2 =	por !p2, p0  }
0x20: {  	[sflag:s8] =	ssyncset.s32 @!p0 $0xFFFFF086;
	s6 =	sadd.s32 @!p0 s3, s7;
	s7 =	simm.s32 @!p0 $0x108  }
0x21: {  	s3 =	sadd.s32 s3, s9;
	s6 =	sadd.s32 @!p0 $0x88, s6;
	s7 =	simm.s32 @p2 $0x1082  }
0x22: {  	[simem:s7], [sflag:s8] =	dma.local @!p0 [hbm:s6], $0xF7A  }
0x23: {  	s9 =	sor.u32 $0xD0000000, s2;
	s6 =	simm.s32 $0x108;
	_ =	swait.ge @!p0 [sflag:s8], $0x0  }
0x24: {  	s3 =	sadd.s32 $0x88, s3;
	s6 =	simm.s32 @!p1 $0x1082;
	[sflag:s4] =	ssyncset.s32 $0xFFFFF086  }
0x25: {  	[simem:s6], [sflag:s4] =	dma.local [hbm:s3], $0xF7A  }
0x26: {  	[smem:$0x3F9D] =	sst s1;
	(tag) =	ssettag s2;
	_ =	strace s9  }
0x27: {  	s1 =	sld [smem:$0x3FAD]  }
0x28: {  	s2 =	sld [smem:$0x3FAE]  }
0x29: {  	s4 =	sld [smem:$0x3FB0]  }
0x2a: {  	p0 =	seq.s32 s5, $0x0;
	s5 =	sld [smem:$0x3FB1]  }
0x2b: {  	s6 =	sld [smem:$0x3FB2]  }
0x2c: {  	s7 =	sld [smem:$0x3FB3]  }
0x2d: {  	s3 =	simm.s32 $0x108;
	s8 =	sld [smem:$0x3FB4]  }
0x2e: {  	s3 =	simm.s32 @!p0 $0x1082;
	s9 =	sld [smem:$0x3FB5]  }
0x2f: {  	lr =	sadd.s32 s0, s3;
	s0 =	sld [smem:$0x3FAC]  }
0x30: {  	s3 =	sld [smem:$0x3FAF]  }
0x31: {  	[smem:$0x3FB8] =	sst s10  }
0x32: {  	s10 =	sld [smem:$0x3FB6];
	_ =	sdelay $0x3  }
0x33: {  	p0 =	seq.s32 s10, $0x1;
	s10 =	sld [smem:$0x3FB8];
	_ =	sdelay $0x3  }
0x34: {  	[smem:$0x3FB8] =	sst s10  }
0x35: {  	s10 =	sld [smem:$0x3FB7];
	_ =	sdelay $0x3  }
0x36: {  	p1 =	seq.s32 s10, $0x1;
	s10 =	sld [smem:$0x3FB8];
	_ =	sdelay $0x3  }
0x37: {  	[smem:$0x3FB8] =	sst s10  }
0x38: {  	s10 =	sld [smem:$0x3FB9]  }
0x39: {  	_ = 	snop;
	(pc) =	sbr.ind lr, $3  }
0x3a: {  	_ = 	snop  }
0x3b: {  	_ = 	snop  }
0x3c: {  	p2 =	seq.s32 s10, $0x1;
	s10 =	sld [smem:$0x3FB8]  }
0x3d: {  	_ =	shalt  }
0x3e: {  	_ =	shalt  }
0x3f: {  	_ =	shalt  }
0x40: {  	_ =	shalt  }
0x41: {  	_ =	shalt  }
0x42: {  	_ =	shalt  }
0x43: {  	_ =	shalt  }
0x44: {  	_ =	shalt  }
0x45: {  	_ =	shalt  }
0x46: {  	_ =	shalt  }
0x47: {  	_ =	shalt  }
0x48: {  	_ =	shalt  }
0x49: {  	_ =	shalt  }
0x4a: {  	_ =	shalt  }
0x4b: {  	_ =	shalt  }
0x4c: {  	_ =	shalt  }
0x4d: {  	_ =	shalt  }
0x4e: {  	_ =	shalt  }
0x4f: {  	_ =	shalt  }
0x50: {  	_ =	shalt  }
0x51: {  	_ =	shalt  }
0x52: {  	_ =	shalt  }
0x53: {  	_ =	shalt  }
0x54: {  	_ =	shalt  }
0x55: {  	_ =	shalt  }
0x56: {  	_ =	shalt  }
0x57: {  	_ =	shalt  }
0x58: {  	_ =	shalt  }
0x59: {  	_ =	shalt  }
0x5a: {  	_ =	shalt  }
0x5b: {  	_ =	shalt  }
0x5c: {  	_ =	shalt  }
0x5d: {  	_ =	shalt  }
0x5e: {  	_ =	shalt  }
0x5f: {  	_ =	shalt  }
0x60: {  	_ =	shalt  }
0x61: {  	_ =	shalt  }
0x62: {  	_ =	shalt  }
0x63: {  	_ =	shalt  }
0x64: {  	_ =	shalt  }
0x65: {  	_ =	shalt  }
0x66: {  	_ =	shalt  }
0x67: {  	_ =	shalt  }
0x68: {  	_ =	shalt  }
0x69: {  	_ =	shalt  }
0x6a: {  	_ =	shalt  }
0x6b: {  	_ =	shalt  }
0x6c: {  	_ =	shalt  }
0x6d: {  	_ =	shalt  }
0x6e: {  	_ =	shalt  }
0x6f: {  	_ =	shalt  }
0x70: {  	_ =	shalt  }
0x71: {  	_ =	shalt  }
0x72: {  	_ =	shalt  }
0x73: {  	_ =	shalt  }
0x74: {  	_ =	shalt  }
0x75: {  	_ =	shalt  }
0x76: {  	_ =	shalt  }
0x77: {  	_ =	shalt  }
0x78: {  	_ =	shalt  }
0x79: {  	_ =	shalt  }
0x7a: {  	_ =	shalt  }
0x7b: {  	_ =	shalt  }
0x7c: {  	_ =	shalt  }
0x7d: {  	_ =	shalt  }
0x7e: {  	_ =	shalt  }
0x7f: {  	_ =	shalt  }
0x80: {  	_ =	shalt  }
0x81: {  	_ =	shalt  }
0x82: {  	_ =	shalt  }
0x83: {  	_ =	shalt  }
0x84: {  	_ =	shalt  }
0x85: {  	_ =	shalt  }
0x86: {  	_ =	shalt  }
0x87: {  	_ =	shalt  }
.Lfunc_end0:
.L_simem_size_0:
called_computation_lowered:
.L_overlay_start_0:
0x88: {  	s2 =	sld [smem:$0x3FD9]  }
0x89: {  	s3 =	sld [smem:$0x3FFE];
	_ =	sdelay $0x1  }
0x8a: {  	s1 =	srdreg.scid  }
0x8b: {  	s0 =	sand.u32 $0x1, s1  }
0x8c: {  	s17 =	sshll.u32 s0, $0xA;
	s2 =	sadd.s32 s3, s2  }
0x8d: {  	s2 =	sadd.s32 s2, s17  }
0x8e: {  	[smem:$0x3FC4] =	sst s2  }
0x8f: {  	_ = 	snop  }
0x90: {  	s2 =	sld [smem:$0x3FD0];
	(tm) =	ssettm $0x1  }
0x91: {  	s18 =	sld [smem:$0x3FFB];
	_ =	sdelay $0x3  }
0x92: {  	_ =	strace s18  }
0x93: {  	s3 =	sld [smem:$0x3FFC];
	_ =	sdelay $0x3  }
0x94: {  	_ =	strace s3  }
0x95: {  	s3 =	sld [smem:$0x3FFD];
	_ =	sdelay $0x3  }
0x96: {  	_ =	strace s3  }
0x97: {  	_ =	strace $0x8FFFFFFF  }
0x98: {  	s19 =	sld [smem:$0x3FDB];
	_ =	sdelay $0x1  }
0x99: {  	s4 =	simm.s32 $_scs_section_size  }
0x9a: {  	s5 =	simm.s32 $_size__tile_overlayer_lowered;
	s6 =	simm.s32 $_tile_overlayer_lowered  }
0x9b: {  	s22 =	simm.s32 $0x1BFF;
	s21 =	sshll.u32 s6, $0x1;
	s3 =	sadd.s32 s4, s19  }
0x9c: {  	s7 =	simm.s32 $0x0;
	s20 =	sshll.u32 s5, $0x1;
	s5 =	sadd.s32 s21, s3  }
0x9d: {  	[timem:s7], [sflag:s22] =	dma.local [hbm:s5], s20  }
0x9e: {  	_ =	swait.ge [sflag:s22], s20  }
0x9f: {  	s4 =	ssub.s32 $0x0, s20;
	[sflag:s22] =	ssyncset.done $0x0  }
0xa0: {  	[sflag:s22] =	ssyncadd.s32 s4;
	_ =	sdelay $0x1  }
0xa1: {  	s23 =	simm.s32 $0x1B8B  }
0xa2: {  	_ =	swait.ge [sflag:s23], $0x1  }
0xa3: {  	[sflag:s23] =	ssyncset.done $0x0  }
0xa4: {  	s25 =	simm.s32 $0x1B8E;
	s24 =	sld [smem:$0x3FFE];
	[sflag:s23] =	ssyncadd.s32 $0xFFFFFFFF  }
0xa5: {  	s26 =	simm.s32 $execute0_lowered;
	[smem:$0x3FD2] =	sst s25  }
0xa6: {  	s5 =	sshll.u32 s26, $0x1;
	_ =	strace $0x80000046;
	[dreg:$0x1] =	wrdreg $0xFFFFFFFF  }
0xa7: {  	s28 =	simm.s32 $_size_execute0_lowered;
	s3 =	sadd.s32 s3, s5;
	[dreg:$0x0] =	wrdreg $0x0  }
0xa8: {  	s5 =	sshll.u32 s28, $0x1;
	[dreg:$0x2] =	wrdreg s3  }
0xa9: {  	[dreg:$0x3] =	wrdreg s5  }
0xaa: {  	[dreg:$0x4] =	wrdreg $0xC0  }
0xab: {  	_ =	task [dreg:s7], $0x5FFFF  }
0xac: {  	[dreg:$0x1] =	wrdreg $0xFFFFFFFF  }
0xad: {  	[dreg:$0x0] =	wrdreg $0x60  }
0xae: {  	[dreg:$0x2] =	wrdreg s24  }
0xaf: {  	[dreg:$0x3] =	wrdreg s2  }
0xb0: {  	[dreg:$0x4] =	wrdreg $0x28800  }
0xb1: {  	[dreg:$0x5] =	wrdreg $0x9  }
0xb2: {  	_ =	task.clear_ibuf [dreg:s7], $0x6FFFF;
	_ =	strace $0x90000046  }
0xb3: {  	s29 =	simm.s32 $0x9;
	_ =	strace $0x80000048  }
0xb4: {  	_ =	swait.ge [sflag:s29], $0x1  }
0xb5: {  	[sflag:s29] =	ssyncadd.s32 $0xFFFFFFFF  }
0xb6: {  	_ =	strace $0x90000048  }
0xb7: {  	_ =	sfence  }
0xb8: {  	s30 =	sld [smem:$0x0];
	_ =	sdelay $0x2  }
0xb9: {  	s31 =	sshll.u32 s1, $0xD;
	s1 =	sshrl.u32 s1, $0x2  }
0xba: {  	s3 =	sand.u32 $0x4000, s31;
	s1 =	sadd.s32 s1, s30  }
0xbb: {  	s0 =	sor.u32 s3, s0;
	s1 =	sshll.u32 s1, $0x11  }
0xbc: {  	s0 =	sor.u32 s1, s0  }
0xbd: {  	s0 =	sadd.s32 $0x8F2B, s0  }
0xbe: {  	[sflag:s0] =	ssyncadd.remote.s32 $0x1  }
0xbf: {  	_ =	sfence.sel $0xFFFF  }
0xc0: {  	[dreg:$0x0] =	wrdreg $0xFFFFFFFF;
	(pc) =	sbr.abs _section_cstart, $3  }
0xc1: {  	[dreg:$0x1] =	wrdreg $0xFFFFFFFF  }
0xc2: {  	_ =	task.clear_ibuf [dreg:s7], $0x2FFFF;
	_ =	strace $0x9FFFFFFF  }
0xc3: {  	(tm) =	ssettm $0x7FFFFFFF  }
tec
execute0_lowered:
.L_overlay_start_1:
0x0: {  	(tag) =	ssettag $0x1  }
0x1: {  	s5 =	rddreg [dreg:$0x0]  }
0x2: {  	s8 =	rddreg [dreg:$0x1]  }
0x3: {  	s0 =	srdreg.scid;
	s2 =	rddreg [dreg:$0x2];
	s3 =	simm.s32 $0x0  }
0x4: {  	s13 =	simm.s32 $0x7D;
	s14 =	simm.s32 $0x20;
	s15 =	simm.s32 $0x10  }
0x5: {  	s16 =	simm.s32 $0x0;
	s6 =	sand.u32 $0x1, s0;
	s0 =	stileid.u32  }
0x6: {  	[smem:$0x7FF] =	sst s3;
	s1 =	sshll.u32 s6, $0x4;
	s10 =	smul.u32 $0xA00, s0  }
0x7: {  	s9 =	ssub.s32 $0x2, s6;
	s12 =	smul.u32 $0x500, s0;
	s6 =	sshll.u32 s6, $0x7  }
0x8: {  	s30 =	sshll.u32 s0, $0x6;
	s4 =	sor.u32 s0, s1;
	s1 =	rddreg [dreg:$0x3]  }
0x9: {  	_ =	strace $0x80000047;
	s11 =	sshrl.u32 s9, $0x1;
	s4 =	smul.u32 $0x500, s4  }
0xa: {  	s9 =	ssub.s32 s9, s11;
	s10 =	sshrl.u32 s10, $0x2;
	s12 =	sor.u32 s6, s12  }
0xb: {  	s6 =	sor.u32 $0x1C01, s30;
	s11 =	simm.s32 $0x1;
	s10 =	sadd.s32 s10, s2  }
0xc: {  	s31 =	sshrl.u32 s12, $0x3;
	s9 =	smax.u32 s9, $0x1;
	s12 =	simm.s32 $0x2800  }
0xd: {  	s7 =	sadd.s32 s4, s5;
	s4 =	sadd.s32 $0xD800, s5;
	s5 =	sadd.s32 $0xD600, s5  }
0xe: {  	s8 =	sadd.s32 s8, s31;
	s10 =	sshrl.u32 s10, $0x3;
	s7 =	sadd.s32 $0x3600, s7  }
.LBB2_1:
0xf: {  	[spmem:s10], [sflag:s6] =	dma.local [hbm:s4], $0x50  }
0x10: {  	_ =	swait.ge [sflag:s11], $0x50  }
0x11: {  	[sflag:s11] =	ssyncset.done $0x0  }
0x12: {  	[sflag:s11] =	ssyncadd.s32 $0xFFFFFFB0  }
0x13: {  	[tilespmem:s12], [sflag:$0x1] =	stream.linear.gather [hbm4b:s5+s3], $0x80, $0x38;
	[tilespmem:$0x2B00] =	vst v63  }
0x14: {  	_ =	swait.ge [sflag:s11], $0x80  }
0x15: {  	[sflag:s11] =	ssyncset.done $0x0  }
0x16: {  	[sflag:s11] =	ssyncadd.s32 $0xFFFFFF80  }
0x17: {  	[tilespmem:s3], [sflag:$0x1] =	stream.linear.gather [hbm4b:s7+s3], $0x2800, $0x38;
	[tilespmem:$0x2B00] =	vst v63  }
0x18: {  	_ =	swait.ge [sflag:s11], $0x2800  }
0x19: {  	[sflag:s11] =	ssyncset.done $0x0  }
0x1a: {  	[sflag:s11] =	ssyncadd.s32 $0xFFFFD800  }
0x1b: {  	s17 =	simm.s32 $0x0;
	[bflag:$0x0] =	sbarrier.arrive $0xFFFF  }
0x1c: {  	[spmem:s2] =	stream.indirect.scatter.add.f32 [tilespmem:s12], [sflag:$0x1], $0x1, s17, s13, $0xb8;
	[tilespmem:$0x2B00] =	vst v63  }
0x1d: {  	_ =	swait.ge [sflag:s11], $0x7D  }
0x1e: {  	s17 =	simm.s32 $0x200;
	[sflag:s11] =	ssyncset.done $0x0  }
.LBB2_2:
0x1f: {  	s18 =	sshra.s32 s17, $0x2;
	[sflag:s11] =	ssyncadd.s32 $0xFFFFFF83;
	p0 =	sne.s32 s17, $0x9E00  }
0x20: {  	[spmem:s2] =	stream.indirect.scatter.add.f32 [tilespmem:s12], [sflag:$0x1], $0x1, s18, s13, $0xb8;
	[tilespmem:$0x2B00] =	vst v63  }
.Ltmp0:
0x21: {  	_ = 	snop;
	(pc) =	sbr.rel @p0 .LBB2_2-.Ltmp0, $4  }
0x22: {  	_ = 	snop  }
0x23: {  	s17 =	sadd.s32 $0x200, s17  }
0x24: {  	_ =	swait.ge [sflag:s11], $0x7D  }
0x25: {  	[sflag:s11] =	ssyncset.done $0x0  }
0x26: {  	s16 =	sadd.s32 $0x1, s16  }
0x27: {  	[sflag:s11] =	ssyncadd.s32 $0xFFFFFF83;
	p0 =	sne.s32 s16, s9  }
.Ltmp1:
0x28: {  	[bflag:$0x0] =	sbarrier.arrive $0xFFFF;
	(pc) =	sbr.rel @p0 .LBB2_1-.Ltmp1, $4  }
0x29: {  	[hbm:s8@s14], [sflag:s6] =	dma.strided [spmem:s10@s15], $0x50, s11, $0x10   }
0x2a: {  	_ =	swait.ge [sflag:s11], $0x50  }
0x2b: {  	[sflag:s11] =	ssyncset.done $0x0  }
0x2c: {  	[sflag:s11] =	ssyncadd.s32 $0xFFFFFFB0  }
0x2d: {  	_ =	sfence.sel $0x180000  }
0x2e: {  	[bflag:$0x0] =	sbarrier.arrive $0xFFFF  }
0x2f: {  	p0 =	sne.s32 s0, $0x0;
	_ =	strace $0x90000047  }
0x30: {  	s0 =	sadd.s32 @!p0 $0x100000, s1;
	[bflag:$0x2] =	sbarrier.arrive $0xFFFF  }
0x31: {  	[sflag:s0] =	ssyncadd.tile.s32 @!p0 $0x1;
	_ =	shalt  }
.Lfunc_end2:
_tile_overlayer_lowered:
.L_overlay_start_2:
0x32: {  	(tag) =	ssettag $0x2  }
0x33: {  	s0 =	rddreg [dreg:$0x0];
	s2 =	stileid.u32  }
0x34: {  	s1 =	rddreg [dreg:$0x1];
	p0 =	sne.s32 s2, $0x0  }
0x35: {  	s3 =	rddreg [dreg:$0x2];
	[bflag:$0x3] =	sbarrier.arrive $0xFFFF;
	s2 =	simm.s32 @!p0 $0x1C01  }
0x36: {  	[timem:s3], [sflag:s2] =	dma.local @!p0 [hbm:s0], s1  }
0x37: {  	s0 =	simm.s32 @!p0 $0x1  }
0x38: {  	_ =	swait.ge @!p0 [sflag:s0], s1  }
0x39: {  	s1 =	ssub.s32 @!p0 $0x0, s1;
	[sflag:s0] =	ssyncset.done @!p0 $0x0  }
0x3a: {  	[sflag:s0] =	ssyncadd.s32 @!p0 s1  }
0x3b: {  	[bflag:$0x3] =	sbarrier.arrive $0xFFFF  }
0x3c: {  	_ =	shalt  }

</sc_bundles>
